<compile_context>
chip_gen: v7x
topology: tpu7x:2x2x1
jax: 0.10.2.dev20260603
libtpu: 0.0.44.dev20260713+nightly
codegen_flags: <defaults>
</compile_context>

<pallas_src>
import functools

import jax
import jax.numpy as jnp
from jax import lax
from jax.experimental import pallas as pl
from jax.experimental.pallas import tpu as pltpu
from jax.experimental.pallas import tpu_sc as plsc

_G = 8
_LIM = 32
_CH = 3
_N = _CH * _LIM * _LIM
_NPV = (_CH * _G * _G) // 16


def _origin(lval):
    v = 0.5 * ((jnp.clip(lval, -1.0, 1.0) + 1.0) * _LIM)
    i = v.astype(jnp.int32)
    return i - (i.astype(jnp.float32) > v).astype(jnp.int32) - _G // 2


def _patch_body(x_hbm, l_hbm, patch_hbm, lv, xch, pv, s_l, s_ch):
    c_l = pltpu.async_copy(l_hbm, lv.at[pl.ds(0, 2)], s_l)
    c_x = pltpu.async_copy(x_hbm, xch, s_ch)
    c_l.wait()
    lvec = lv[...]
    fx = _origin(lvec[0])
    fy = _origin(lvec[1])
    lane = lax.iota(jnp.int32, 16)
    c_x.wait()
    for j in range(_NPV):
        p = (j % (_NPV // _CH)) * 16 + lane
        ch = j // (_NPV // _CH)
        xi = p // _G
        yi = p % _G
        rows = fx + xi
        cols = fy + yi
        valid = (rows >= 0) & (rows < _LIM) & (cols >= 0) & (cols < _LIM)
        lidx = (ch * _LIM * _LIM
                + jnp.clip(rows, 0, _LIM - 1) * _LIM
                + jnp.clip(cols, 0, _LIM - 1))
        g = plsc.load_gather(xch, [lidx])
        pv[pl.ds(j * 16, 16)] = jnp.where(valid, g, 0.0)
    pltpu.sync_copy(pv, patch_hbm)


@functools.partial(
    pl.kernel,
    mesh=plsc.VectorSubcoreMesh(
        core_axis_name="c", subcore_axis_name="s",
        num_cores=1, num_subcores=1),
    compiler_params=pltpu.CompilerParams(needs_layout_passes=False),
    out_type=jax.ShapeDtypeStruct((_CH * _G * _G,), jnp.float32),
    scratch_types=[
        pltpu.VMEM((16,), jnp.float32),
        pltpu.VMEM((_N,), jnp.float32),
        pltpu.VMEM((_CH * _G * _G,), jnp.float32),
        pltpu.SemaphoreType.DMA,
        pltpu.SemaphoreType.DMA,
    ],
)
def _patch_sc(*refs):
    _patch_body(*refs)


def _full_tc_body(l_ref, x_ref, o_ref):
    fx = _origin(l_ref[0])
    fy = _origin(l_ref[1])
    rr = lax.broadcasted_iota(jnp.int32, (_CH * _LIM, _LIM), 0) % _LIM
    cc = lax.broadcasted_iota(jnp.int32, (_CH * _LIM, _LIM), 1)
    m = (rr >= fx) & (rr < fx + _G) & (cc >= fy) & (cc < fy + _G)
    o_ref[...] = jnp.where(m, x_ref[...], 0.0)


_full_tc = pl.pallas_call(
    _full_tc_body,
    out_shape=jax.ShapeDtypeStruct((_CH * _LIM, _LIM), jnp.float32),
    in_specs=[
        pl.BlockSpec(memory_space=pltpu.SMEM),
        pl.BlockSpec(memory_space=pltpu.VMEM),
    ],
    out_specs=pl.BlockSpec(memory_space=pltpu.VMEM),
)


def kernel(x, l):
    B, C, H, W = x.shape
    lf = l.reshape(-1)
    patch_flat = _patch_sc(x.reshape(-1), lf)
    full2d = _full_tc(lf, x.reshape(C * H, W))
    return (full2d.reshape(B, C, H, W), patch_flat.reshape(B, C, _G, _G))

# --- scband reference (transcript-rebuilt; emitter-appended) ---
"""Pipeline reference for scband-retina-75428215652993 (READ-ONLY COPY).

The authoritative reference and input builder live on the scoring server;
editing this copy changes nothing except your own understanding.
"""

import jax, jax.numpy as jnp
import numpy as np

G = 8  # glimpse size (init kwarg g)
LIM = 32  # hard-coded x_lim/y_lim in the torch module


def setup_inputs(seed: int = 0) -> dict:
    key = jax.random.key(seed)
    k1, k2 = jax.random.split(key)
    x = jax.random.normal(k1, (1, 3, 32, 32), dtype=jnp.float32)
    l = jax.random.uniform(k2, (1, 2), dtype=jnp.float32)
    return {"x": x, "l": l}


def reference(x, l):
    B, C, H, W = x.shape
    # clamp l to [-1, 1] (torchmax/torchmin with +-ones_like)
    lc = jnp.clip(l, -1.0, 1.0)
    # denormalize: (0.5 * ((l + 1.0) * H)).long()
    coords = (0.5 * ((lc + 1.0) * H)).astype(jnp.int32).reshape(B, 2)
    full = jnp.zeros_like(x)  # patch_noise is None -> zeros
    patch = jnp.zeros((B, C, G, G), dtype=x.dtype)
    for i in range(B):
        fx = coords[i, 0] - G // 2
        fy = coords[i, 1] - G // 2
        for xi in range(G):
            for yi in range(G):
                xc = fx + xi
                yc = fy + yi
                valid = (xc >= 0) & (xc < LIM) & (yc >= 0) & (yc < LIM)
                xs = jnp.clip(xc, 0, LIM - 1)
                ys = jnp.clip(yc, 0, LIM - 1)
                val = x[i, :, xs, ys]
                # torch does patch[i,:,xi,yi] = x[:,:,xc,yc]; with B==1 this is x[0,:,xc,yc]
                patch = patch.at[i, :, xi, yi].set(
                    jnp.where(valid, val, patch[i, :, xi, yi])
                )
                full = full.at[i, :, xs, ys].set(
                    jnp.where(valid, val, full[i, :, xs, ys])
                )
    return (full, patch)

if __name__ == "__main__":
    import jax
    _d = setup_inputs()
    print(jax.jit(kernel)(*tuple(_d.values())))

</pallas_src>

<mosaic_0001>
#map = affine_map<(d0, d1) -> (0)>
module attributes {stable_mosaic.version = 14 : i64} {
  func.func @_patch_sc(%arg0: i32, %arg1: i32, %arg2: memref<3072xf32, #tpu.memory_space<hbm>>, %arg3: memref<2xf32, #tpu.memory_space<hbm>>, %arg4: memref<192xf32, #tpu.memory_space<hbm>>, %arg5: memref<16xf32, #tpu.memory_space<vmem>>, %arg6: memref<3072xf32, #tpu.memory_space<vmem>>, %arg7: memref<192xf32, #tpu.memory_space<vmem>>, %arg8: memref<!tpu.dma_semaphore, #tpu.memory_space<semaphore_mem>>, %arg9: memref<!tpu.dma_semaphore, #tpu.memory_space<semaphore_mem>>) attributes {dimension_semantics = [#tpu.dimension_semantics<core_parallel>, #tpu.dimension_semantics<subcore_parallel>], iteration_bounds = array<i64: 1, 1>, scalar_prefetch = 0 : i64, scratch_operands = 5 : i64, tpu.core_type = #tpu.core_type<sc_vector_subcore>, window_params = [{transform_indices = #map}, {transform_indices = #map}, {transform_indices = #map}]} {
    %dma_start3A = arith.constant 0 : i32
    %dma_start3A_0 = tpu.memref_slice %arg5[%dma_start3A] : memref<16xf32, #tpu.memory_space<vmem>> -> memref<2xf32, #tpu.memory_space<vmem>>
    %dma_start3A_1 = arith.constant 0 : i32
    %dma_start3A_2 = tpu.memref_slice %arg5[%dma_start3A_1] : memref<16xf32, #tpu.memory_space<vmem>> -> memref<2xf32, #tpu.memory_space<vmem>>
    tpu.enqueue_dma source(%arg3 : memref<2xf32, #tpu.memory_space<hbm>>) target(%dma_start3A_2 : memref<2xf32, #tpu.memory_space<vmem>>) target_semaphore(%arg8 : memref<!tpu.dma_semaphore, #tpu.memory_space<semaphore_mem>>)
    tpu.enqueue_dma source(%arg2 : memref<3072xf32, #tpu.memory_space<hbm>>) target(%arg6 : memref<3072xf32, #tpu.memory_space<vmem>>) target_semaphore(%arg9 : memref<!tpu.dma_semaphore, #tpu.memory_space<semaphore_mem>>)
    %dma_wait3A = arith.constant 0 : i32
    %dma_wait3A_3 = tpu.memref_slice %arg5[%dma_wait3A] : memref<16xf32, #tpu.memory_space<vmem>> -> memref<2xf32, #tpu.memory_space<vmem>>
    %dma_wait3A_4 = arith.constant 0 : i32
    %dma_wait3A_5 = tpu.memref_slice %arg5[%dma_wait3A_4] : memref<16xf32, #tpu.memory_space<vmem>> -> memref<2xf32, #tpu.memory_space<vmem>>
    tpu.wait_dma2 semaphore(%arg8 : memref<!tpu.dma_semaphore, #tpu.memory_space<semaphore_mem>>) src(%arg3 : memref<2xf32, #tpu.memory_space<hbm>>) dst(%dma_wait3A_5 : memref<2xf32, #tpu.memory_space<vmem>>)
    %get3A = arith.constant 0 : index
    %get3A_6 = tpu.vector_load %arg5[%get3A] {strides = array<i32>} : memref<16xf32, #tpu.memory_space<vmem>>, vector<16xf32>,
    %slice3A = vector.extract_strided_slice %get3A_6 {offsets = [0], sizes = [1], strides = [1]} : vector<16xf32> to vector<1xf32>
    %squeeze3A = vector.extract %slice3A[0] : f32 from vector<1xf32>
    %jit3A = arith.constant -1.000000e+00 : f32
    %jit3A_7 = arith.constant 1.000000e+00 : f32
    %max3A = arith.maximumf %jit3A, %squeeze3A : f32
    %min3A = arith.minimumf %jit3A_7, %max3A : f32
    %add3A = arith.constant 1.000000e+00 : f32
    %add3A_8 = arith.addf %min3A, %add3A : f32
    %mul3A = arith.constant 3.200000e+01 : f32
    %mul3A_9 = arith.mulf %add3A_8, %mul3A : f32
    %mul3A_10 = arith.constant 5.000000e-01 : f32
    %mul3A_11 = arith.mulf %mul3A_10, %mul3A_9 : f32
    %convert_element_type3A = arith.fptosi %mul3A_11 : f32 to i32
    %convert_element_type3A_12 = arith.sitofp %convert_element_type3A : i32 to f32
    %gt3A = arith.cmpf ogt, %convert_element_type3A_12, %mul3A_11 : f32
    %convert_element_type3A_13 = arith.extui %gt3A : i1 to i32
    %sub3A = arith.subi %convert_element_type3A, %convert_element_type3A_13 : i32
    %sub3A_14 = arith.constant 4 : i32
    %sub3A_15 = arith.subi %sub3A, %sub3A_14 : i32
    %slice3A_16 = vector.extract_strided_slice %get3A_6 {offsets = [1], sizes = [1], strides = [1]} : vector<16xf32> to vector<1xf32>
    %squeeze3A_17 = vector.extract %slice3A_16[0] : f32 from vector<1xf32>
    %jit3A_18 = arith.constant -1.000000e+00 : f32
    %jit3A_19 = arith.constant 1.000000e+00 : f32
    %max3A_20 = arith.maximumf %jit3A_18, %squeeze3A_17 : f32
    %min3A_21 = arith.minimumf %jit3A_19, %max3A_20 : f32
    %add3A_22 = arith.constant 1.000000e+00 : f32
    %add3A_23 = arith.addf %min3A_21, %add3A_22 : f32
    %mul3A_24 = arith.constant 3.200000e+01 : f32
    %mul3A_25 = arith.mulf %add3A_23, %mul3A_24 : f32
    %mul3A_26 = arith.constant 5.000000e-01 : f32
    %mul3A_27 = arith.mulf %mul3A_26, %mul3A_25 : f32
    %convert_element_type3A_28 = arith.fptosi %mul3A_27 : f32 to i32
    %convert_element_type3A_29 = arith.sitofp %convert_element_type3A_28 : i32 to f32
    %gt3A_30 = arith.cmpf ogt, %convert_element_type3A_29, %mul3A_27 : f32
    %convert_element_type3A_31 = arith.extui %gt3A_30 : i1 to i32
    %sub3A_32 = arith.subi %convert_element_type3A_28, %convert_element_type3A_31 : i32
    %sub3A_33 = arith.constant 4 : i32
    %sub3A_34 = arith.subi %sub3A_32, %sub3A_33 : i32
    %iota3A = tpu.iota {dimensions = array<i32: 0>} : vector<16xi32>
    tpu.wait_dma2 semaphore(%arg9 : memref<!tpu.dma_semaphore, #tpu.memory_space<semaphore_mem>>) src(%arg2 : memref<3072xf32, #tpu.memory_space<hbm>>) dst(%arg6 : memref<3072xf32, #tpu.memory_space<vmem>>)
    %add3A_35 = arith.constant 0 : i32
    %add3A_36 = vector.broadcast %add3A_35 : i32 to vector<16xi32>
    %add3A_37 = arith.addi %add3A_36, %iota3A : vector<16xi32>
    %jit3A_38 = arith.constant 8 : i32
    %div3A = vector.broadcast %jit3A_38 : i32 to vector<16xi32>
    %div3A_39 = arith.divsi %add3A_37, %div3A : vector<16xi32>
    %sign3A = arith.constant 0 : i32
    %sign3A_40 = vector.broadcast %sign3A : i32 to vector<16xi32>
    %sign3A_41 = arith.cmpi sgt, %add3A_37, %sign3A_40 : vector<16xi32>
    %sign3A_42 = arith.extui %sign3A_41 : vector<16xi1> to vector<16xi32>
    %sign3A_43 = arith.constant 0 : i32
    %sign3A_44 = vector.broadcast %sign3A_43 : i32 to vector<16xi32>
    %sign3A_45 = arith.cmpi slt, %add3A_37, %sign3A_44 : vector<16xi32>
    %sign3A_46 = arith.extui %sign3A_45 : vector<16xi1> to vector<16xi32>
    %sign3A_47 = arith.subi %sign3A_42, %sign3A_46 : vector<16xi32>
    %sign3A_48 = arith.constant 0 : i32
    %sign3A_49 = arith.cmpi sgt, %jit3A_38, %sign3A_48 : i32
    %sign3A_50 = arith.extui %sign3A_49 : i1 to i32
    %sign3A_51 = arith.constant 0 : i32
    %sign3A_52 = arith.cmpi slt, %jit3A_38, %sign3A_51 : i32
    %sign3A_53 = arith.extui %sign3A_52 : i1 to i32
    %sign3A_54 = arith.subi %sign3A_50, %sign3A_53 : i32
    %ne3A = vector.broadcast %sign3A_54 : i32 to vector<16xi32>
    %ne3A_55 = arith.cmpi ne, %sign3A_47, %ne3A : vector<16xi32>
    %rem3A = vector.broadcast %jit3A_38 : i32 to vector<16xi32>
    %rem3A_56 = arith.remsi %add3A_37, %rem3A : vector<16xi32>
    %ne3A_57 = arith.constant 0 : i32
    %ne3A_58 = vector.broadcast %ne3A_57 : i32 to vector<16xi32>
    %ne3A_59 = arith.cmpi ne, %rem3A_56, %ne3A_58 : vector<16xi32>
    %and3A = arith.andi %ne3A_55, %ne3A_59 : vector<16xi1>
    %sub3A_60 = arith.constant 1 : i32
    %sub3A_61 = vector.broadcast %sub3A_60 : i32 to vector<16xi32>
    %sub3A_62 = arith.subi %div3A_39, %sub3A_61 : vector<16xi32>
    %select_n3A = arith.select %and3A, %sub3A_62, %div3A_39 : vector<16xi1>, vector<16xi32>
    %jit3A_63 = arith.constant 8 : i32
    %eq3A = arith.constant 0 : i32
    %eq3A_64 = arith.cmpi eq, %jit3A_63, %eq3A : i32
    %jit3A_65 = arith.constant 1 : i32
    %select_n3A_66 = arith.select %eq3A_64, %jit3A_65, %jit3A_63 : i32
    %rem3A_67 = vector.broadcast %select_n3A_66 : i32 to vector<16xi32>
    %rem3A_68 = arith.remsi %add3A_37, %rem3A_67 : vector<16xi32>
    %ne3A_69 = arith.constant 0 : i32
    %ne3A_70 = vector.broadcast %ne3A_69 : i32 to vector<16xi32>
    %ne3A_71 = arith.cmpi ne, %rem3A_68, %ne3A_70 : vector<16xi32>
    %lt3A = arith.constant 0 : i32
    %lt3A_72 = vector.broadcast %lt3A : i32 to vector<16xi32>
    %lt3A_73 = arith.cmpi slt, %rem3A_68, %lt3A_72 : vector<16xi32>
    %lt3A_74 = arith.constant 0 : i32
    %lt3A_75 = arith.cmpi slt, %select_n3A_66, %lt3A_74 : i32
    %ne3A_76 = vector.broadcast %lt3A_75 : i1 to vector<16xi1>
    %ne3A_77 = vector.broadcast %ne3A_76 : vector<16xi1> to vector<16xi1>
    %ne3A_78 = arith.xori %lt3A_73, %ne3A_77 : vector<16xi1>
    %and3A_79 = arith.andi %ne3A_78, %ne3A_71 : vector<16xi1>
    %add3A_80 = vector.broadcast %select_n3A_66 : i32 to vector<16xi32>
    %add3A_81 = arith.addi %rem3A_68, %add3A_80 : vector<16xi32>
    %select_n3A_82 = arith.select %and3A_79, %add3A_81, %rem3A_68 : vector<16xi1>, vector<16xi32>
    %add3A_83 = vector.broadcast %sub3A_15 : i32 to vector<16xi32>
    %add3A_84 = arith.addi %add3A_83, %select_n3A : vector<16xi32>
    %add3A_85 = vector.broadcast %sub3A_34 : i32 to vector<16xi32>
    %add3A_86 = arith.addi %add3A_85, %select_n3A_82 : vector<16xi32>
    %ge3A = arith.constant 0 : i32
    %ge3A_87 = vector.broadcast %ge3A : i32 to vector<16xi32>
    %ge3A_88 = arith.cmpi sge, %add3A_84, %ge3A_87 : vector<16xi32>
    %lt3A_89 = arith.constant 32 : i32
    %lt3A_90 = vector.broadcast %lt3A_89 : i32 to vector<16xi32>
    %lt3A_91 = arith.cmpi slt, %add3A_84, %lt3A_90 : vector<16xi32>
    %and3A_92 = arith.andi %ge3A_88, %lt3A_91 : vector<16xi1>
    %ge3A_93 = arith.constant 0 : i32
    %ge3A_94 = vector.broadcast %ge3A_93 : i32 to vector<16xi32>
    %ge3A_95 = arith.cmpi sge, %add3A_86, %ge3A_94 : vector<16xi32>
    %and3A_96 = arith.andi %and3A_92, %ge3A_95 : vector<16xi1>
    %lt3A_97 = arith.constant 32 : i32
    %lt3A_98 = vector.broadcast %lt3A_97 : i32 to vector<16xi32>
    %lt3A_99 = arith.cmpi slt, %add3A_86, %lt3A_98 : vector<16xi32>
    %and3A_100 = arith.andi %and3A_96, %lt3A_99 : vector<16xi1>
    %jit3A_101 = arith.constant 0 : i32
    %jit3A_102 = arith.constant 31 : i32
    %max3A_103 = vector.broadcast %jit3A_101 : i32 to vector<16xi32>
    %max3A_104 = arith.maxsi %max3A_103, %add3A_84 : vector<16xi32>
    %min3A_105 = vector.broadcast %jit3A_102 : i32 to vector<16xi32>
    %min3A_106 = arith.minsi %min3A_105, %max3A_104 : vector<16xi32>
    %mul3A_107 = arith.constant 32 : i32
    %mul3A_108 = vector.broadcast %mul3A_107 : i32 to vector<16xi32>
    %mul3A_109 = arith.muli %min3A_106, %mul3A_108 : vector<16xi32>
    %add3A_110 = arith.constant 0 : i32
    %add3A_111 = vector.broadcast %add3A_110 : i32 to vector<16xi32>
    %add3A_112 = arith.addi %add3A_111, %mul3A_109 : vector<16xi32>
    %jit3A_113 = arith.constant 0 : i32
    %jit3A_114 = arith.constant 31 : i32
    %max3A_115 = vector.broadcast %jit3A_113 : i32 to vector<16xi32>
    %max3A_116 = arith.maxsi %max3A_115, %add3A_86 : vector<16xi32>
    %min3A_117 = vector.broadcast %jit3A_114 : i32 to vector<16xi32>
    %min3A_118 = arith.minsi %min3A_117, %max3A_116 : vector<16xi32>
    %add3A_119 = arith.addi %add3A_112, %min3A_118 : vector<16xi32>
    %gather3A = tpu.vector_load_idx %arg6[%add3A_119] : memref<3072xf32, #tpu.memory_space<vmem>>[vector<16xi32>], vector<16xf32>,
    %jit3A_120 = arith.constant 0.000000e+00 : f32
    %broadcast_in_dim3A = vector.broadcast %jit3A_120 : f32 to vector<16xf32>
    %select_n3A_121 = arith.select %and3A_100, %gather3A, %broadcast_in_dim3A : vector<16xi1>, vector<16xf32>
    %swap3A = arith.constant 0 : index
    %swap3A_122 = tpu.vector_load %arg7[%swap3A] {strides = array<i32>} : memref<192xf32, #tpu.memory_space<vmem>>, vector<16xf32>,
    tpu.vector_store %arg7[%swap3A], %select_n3A_121 {strides = array<i32>} : memref<192xf32, #tpu.memory_space<vmem>>, vector<16xf32>,
    %add3A_123 = arith.constant 16 : i32
    %add3A_124 = vector.broadcast %add3A_123 : i32 to vector<16xi32>
    %add3A_125 = arith.addi %add3A_124, %iota3A : vector<16xi32>
    %jit3A_126 = arith.constant 8 : i32
    %div3A_127 = vector.broadcast %jit3A_126 : i32 to vector<16xi32>
    %div3A_128 = arith.divsi %add3A_125, %div3A_127 : vector<16xi32>
    %sign3A_129 = arith.constant 0 : i32
    %sign3A_130 = vector.broadcast %sign3A_129 : i32 to vector<16xi32>
    %sign3A_131 = arith.cmpi sgt, %add3A_125, %sign3A_130 : vector<16xi32>
    %sign3A_132 = arith.extui %sign3A_131 : vector<16xi1> to vector<16xi32>
    %sign3A_133 = arith.constant 0 : i32
    %sign3A_134 = vector.broadcast %sign3A_133 : i32 to vector<16xi32>
    %sign3A_135 = arith.cmpi slt, %add3A_125, %sign3A_134 : vector<16xi32>
    %sign3A_136 = arith.extui %sign3A_135 : vector<16xi1> to vector<16xi32>
    %sign3A_137 = arith.subi %sign3A_132, %sign3A_136 : vector<16xi32>
    %sign3A_138 = arith.constant 0 : i32
    %sign3A_139 = arith.cmpi sgt, %jit3A_126, %sign3A_138 : i32
    %sign3A_140 = arith.extui %sign3A_139 : i1 to i32
    %sign3A_141 = arith.constant 0 : i32
    %sign3A_142 = arith.cmpi slt, %jit3A_126, %sign3A_141 : i32
    %sign3A_143 = arith.extui %sign3A_142 : i1 to i32
    %sign3A_144 = arith.subi %sign3A_140, %sign3A_143 : i32
    %ne3A_145 = vector.broadcast %sign3A_144 : i32 to vector<16xi32>
    %ne3A_146 = arith.cmpi ne, %sign3A_137, %ne3A_145 : vector<16xi32>
    %rem3A_147 = vector.broadcast %jit3A_126 : i32 to vector<16xi32>
    %rem3A_148 = arith.remsi %add3A_125, %rem3A_147 : vector<16xi32>
    %ne3A_149 = arith.constant 0 : i32
    %ne3A_150 = vector.broadcast %ne3A_149 : i32 to vector<16xi32>
    %ne3A_151 = arith.cmpi ne, %rem3A_148, %ne3A_150 : vector<16xi32>
    %and3A_152 = arith.andi %ne3A_146, %ne3A_151 : vector<16xi1>
    %sub3A_153 = arith.constant 1 : i32
    %sub3A_154 = vector.broadcast %sub3A_153 : i32 to vector<16xi32>
    %sub3A_155 = arith.subi %div3A_128, %sub3A_154 : vector<16xi32>
    %select_n3A_156 = arith.select %and3A_152, %sub3A_155, %div3A_128 : vector<16xi1>, vector<16xi32>
    %jit3A_157 = arith.constant 8 : i32
    %eq3A_158 = arith.constant 0 : i32
    %eq3A_159 = arith.cmpi eq, %jit3A_157, %eq3A_158 : i32
    %jit3A_160 = arith.constant 1 : i32
    %select_n3A_161 = arith.select %eq3A_159, %jit3A_160, %jit3A_157 : i32
    %rem3A_162 = vector.broadcast %select_n3A_161 : i32 to vector<16xi32>
    %rem3A_163 = arith.remsi %add3A_125, %rem3A_162 : vector<16xi32>
    %ne3A_164 = arith.constant 0 : i32
    %ne3A_165 = vector.broadcast %ne3A_164 : i32 to vector<16xi32>
    %ne3A_166 = arith.cmpi ne, %rem3A_163, %ne3A_165 : vector<16xi32>
    %lt3A_167 = arith.constant 0 : i32
    %lt3A_168 = vector.broadcast %lt3A_167 : i32 to vector<16xi32>
    %lt3A_169 = arith.cmpi slt, %rem3A_163, %lt3A_168 : vector<16xi32>
    %lt3A_170 = arith.constant 0 : i32
    %lt3A_171 = arith.cmpi slt, %select_n3A_161, %lt3A_170 : i32
    %ne3A_172 = vector.broadcast %lt3A_171 : i1 to vector<16xi1>
    %ne3A_173 = vector.broadcast %ne3A_172 : vector<16xi1> to vector<16xi1>
    %ne3A_174 = arith.xori %lt3A_169, %ne3A_173 : vector<16xi1>
    %and3A_175 = arith.andi %ne3A_174, %ne3A_166 : vector<16xi1>
    %add3A_176 = vector.broadcast %select_n3A_161 : i32 to vector<16xi32>
    %add3A_177 = arith.addi %rem3A_163, %add3A_176 : vector<16xi32>
    %select_n3A_178 = arith.select %and3A_175, %add3A_177, %rem3A_163 : vector<16xi1>, vector<16xi32>
    %add3A_179 = vector.broadcast %sub3A_15 : i32 to vector<16xi32>
    %add3A_180 = arith.addi %add3A_179, %select_n3A_156 : vector<16xi32>
    %add3A_181 = vector.broadcast %sub3A_34 : i32 to vector<16xi32>
    %add3A_182 = arith.addi %add3A_181, %select_n3A_178 : vector<16xi32>
    %ge3A_183 = arith.constant 0 : i32
    %ge3A_184 = vector.broadcast %ge3A_183 : i32 to vector<16xi32>
    %ge3A_185 = arith.cmpi sge, %add3A_180, %ge3A_184 : vector<16xi32>
    %lt3A_186 = arith.constant 32 : i32
    %lt3A_187 = vector.broadcast %lt3A_186 : i32 to vector<16xi32>
    %lt3A_188 = arith.cmpi slt, %add3A_180, %lt3A_187 : vector<16xi32>
    %and3A_189 = arith.andi %ge3A_185, %lt3A_188 : vector<16xi1>
    %ge3A_190 = arith.constant 0 : i32
    %ge3A_191 = vector.broadcast %ge3A_190 : i32 to vector<16xi32>
    %ge3A_192 = arith.cmpi sge, %add3A_182, %ge3A_191 : vector<16xi32>
    %and3A_193 = arith.andi %and3A_189, %ge3A_192 : vector<16xi1>
    %lt3A_194 = arith.constant 32 : i32
    %lt3A_195 = vector.broadcast %lt3A_194 : i32 to vector<16xi32>
    %lt3A_196 = arith.cmpi slt, %add3A_182, %lt3A_195 : vector<16xi32>
    %and3A_197 = arith.andi %and3A_193, %lt3A_196 : vector<16xi1>
    %jit3A_198 = arith.constant 0 : i32
    %jit3A_199 = arith.constant 31 : i32
    %max3A_200 = vector.broadcast %jit3A_198 : i32 to vector<16xi32>
    %max3A_201 = arith.maxsi %max3A_200, %add3A_180 : vector<16xi32>
    %min3A_202 = vector.broadcast %jit3A_199 : i32 to vector<16xi32>
    %min3A_203 = arith.minsi %min3A_202, %max3A_201 : vector<16xi32>
    %mul3A_204 = arith.constant 32 : i32
    %mul3A_205 = vector.broadcast %mul3A_204 : i32 to vector<16xi32>
    %mul3A_206 = arith.muli %min3A_203, %mul3A_205 : vector<16xi32>
    %add3A_207 = arith.constant 0 : i32
    %add3A_208 = vector.broadcast %add3A_207 : i32 to vector<16xi32>
    %add3A_209 = arith.addi %add3A_208, %mul3A_206 : vector<16xi32>
    %jit3A_210 = arith.constant 0 : i32
    %jit3A_211 = arith.constant 31 : i32
    %max3A_212 = vector.broadcast %jit3A_210 : i32 to vector<16xi32>
    %max3A_213 = arith.maxsi %max3A_212, %add3A_182 : vector<16xi32>
    %min3A_214 = vector.broadcast %jit3A_211 : i32 to vector<16xi32>
    %min3A_215 = arith.minsi %min3A_214, %max3A_213 : vector<16xi32>
    %add3A_216 = arith.addi %add3A_209, %min3A_215 : vector<16xi32>
    %gather3A_217 = tpu.vector_load_idx %arg6[%add3A_216] : memref<3072xf32, #tpu.memory_space<vmem>>[vector<16xi32>], vector<16xf32>,
    %jit3A_218 = arith.constant 0.000000e+00 : f32
    %broadcast_in_dim3A_219 = vector.broadcast %jit3A_218 : f32 to vector<16xf32>
    %select_n3A_220 = arith.select %and3A_197, %gather3A_217, %broadcast_in_dim3A_219 : vector<16xi1>, vector<16xf32>
    %swap3A_221 = arith.constant 16 : index
    %swap3A_222 = tpu.vector_load %arg7[%swap3A_221] {strides = array<i32>} : memref<192xf32, #tpu.memory_space<vmem>>, vector<16xf32>,
    tpu.vector_store %arg7[%swap3A_221], %select_n3A_220 {strides = array<i32>} : memref<192xf32, #tpu.memory_space<vmem>>, vector<16xf32>,
    %add3A_223 = arith.constant 32 : i32
    %add3A_224 = vector.broadcast %add3A_223 : i32 to vector<16xi32>
    %add3A_225 = arith.addi %add3A_224, %iota3A : vector<16xi32>
    %jit3A_226 = arith.constant 8 : i32
    %div3A_227 = vector.broadcast %jit3A_226 : i32 to vector<16xi32>
    %div3A_228 = arith.divsi %add3A_225, %div3A_227 : vector<16xi32>
    %sign3A_229 = arith.constant 0 : i32
    %sign3A_230 = vector.broadcast %sign3A_229 : i32 to vector<16xi32>
    %sign3A_231 = arith.cmpi sgt, %add3A_225, %sign3A_230 : vector<16xi32>
    %sign3A_232 = arith.extui %sign3A_231 : vector<16xi1> to vector<16xi32>
    %sign3A_233 = arith.constant 0 : i32
    %sign3A_234 = vector.broadcast %sign3A_233 : i32 to vector<16xi32>
    %sign3A_235 = arith.cmpi slt, %add3A_225, %sign3A_234 : vector<16xi32>
    %sign3A_236 = arith.extui %sign3A_235 : vector<16xi1> to vector<16xi32>
    %sign3A_237 = arith.subi %sign3A_232, %sign3A_236 : vector<16xi32>
    %sign3A_238 = arith.constant 0 : i32
    %sign3A_239 = arith.cmpi sgt, %jit3A_226, %sign3A_238 : i32
    %sign3A_240 = arith.extui %sign3A_239 : i1 to i32
    %sign3A_241 = arith.constant 0 : i32
    %sign3A_242 = arith.cmpi slt, %jit3A_226, %sign3A_241 : i32
    %sign3A_243 = arith.extui %sign3A_242 : i1 to i32
    %sign3A_244 = arith.subi %sign3A_240, %sign3A_243 : i32
    %ne3A_245 = vector.broadcast %sign3A_244 : i32 to vector<16xi32>
    %ne3A_246 = arith.cmpi ne, %sign3A_237, %ne3A_245 : vector<16xi32>
    %rem3A_247 = vector.broadcast %jit3A_226 : i32 to vector<16xi32>
    %rem3A_248 = arith.remsi %add3A_225, %rem3A_247 : vector<16xi32>
    %ne3A_249 = arith.constant 0 : i32
    %ne3A_250 = vector.broadcast %ne3A_249 : i32 to vector<16xi32>
    %ne3A_251 = arith.cmpi ne, %rem3A_248, %ne3A_250 : vector<16xi32>
    %and3A_252 = arith.andi %ne3A_246, %ne3A_251 : vector<16xi1>
    %sub3A_253 = arith.constant 1 : i32
    %sub3A_254 = vector.broadcast %sub3A_253 : i32 to vector<16xi32>
    %sub3A_255 = arith.subi %div3A_228, %sub3A_254 : vector<16xi32>
    %select_n3A_256 = arith.select %and3A_252, %sub3A_255, %div3A_228 : vector<16xi1>, vector<16xi32>
    %jit3A_257 = arith.constant 8 : i32
    %eq3A_258 = arith.constant 0 : i32
    %eq3A_259 = arith.cmpi eq, %jit3A_257, %eq3A_258 : i32
    %jit3A_260 = arith.constant 1 : i32
    %select_n3A_261 = arith.select %eq3A_259, %jit3A_260, %jit3A_257 : i32
    %rem3A_262 = vector.broadcast %select_n3A_261 : i32 to vector<16xi32>
    %rem3A_263 = arith.remsi %add3A_225, %rem3A_262 : vector<16xi32>
    %ne3A_264 = arith.constant 0 : i32
    %ne3A_265 = vector.broadcast %ne3A_264 : i32 to vector<16xi32>
    %ne3A_266 = arith.cmpi ne, %rem3A_263, %ne3A_265 : vector<16xi32>
    %lt3A_267 = arith.constant 0 : i32
    %lt3A_268 = vector.broadcast %lt3A_267 : i32 to vector<16xi32>
    %lt3A_269 = arith.cmpi slt, %rem3A_263, %lt3A_268 : vector<16xi32>
    %lt3A_270 = arith.constant 0 : i32
    %lt3A_271 = arith.cmpi slt, %select_n3A_261, %lt3A_270 : i32
    %ne3A_272 = vector.broadcast %lt3A_271 : i1 to vector<16xi1>
    %ne3A_273 = vector.broadcast %ne3A_272 : vector<16xi1> to vector<16xi1>
    %ne3A_274 = arith.xori %lt3A_269, %ne3A_273 : vector<16xi1>
    %and3A_275 = arith.andi %ne3A_274, %ne3A_266 : vector<16xi1>
    %add3A_276 = vector.broadcast %select_n3A_261 : i32 to vector<16xi32>
    %add3A_277 = arith.addi %rem3A_263, %add3A_276 : vector<16xi32>
    %select_n3A_278 = arith.select %and3A_275, %add3A_277, %rem3A_263 : vector<16xi1>, vector<16xi32>
    %add3A_279 = vector.broadcast %sub3A_15 : i32 to vector<16xi32>
    %add3A_280 = arith.addi %add3A_279, %select_n3A_256 : vector<16xi32>
    %add3A_281 = vector.broadcast %sub3A_34 : i32 to vector<16xi32>
    %add3A_282 = arith.addi %add3A_281, %select_n3A_278 : vector<16xi32>
    %ge3A_283 = arith.constant 0 : i32
    %ge3A_284 = vector.broadcast %ge3A_283 : i32 to vector<16xi32>
    %ge3A_285 = arith.cmpi sge, %add3A_280, %ge3A_284 : vector<16xi32>
    %lt3A_286 = arith.constant 32 : i32
    %lt3A_287 = vector.broadcast %lt3A_286 : i32 to vector<16xi32>
    %lt3A_288 = arith.cmpi slt, %add3A_280, %lt3A_287 : vector<16xi32>
    %and3A_289 = arith.andi %ge3A_285, %lt3A_288 : vector<16xi1>
    %ge3A_290 = arith.constant 0 : i32
    %ge3A_291 = vector.broadcast %ge3A_290 : i32 to vector<16xi32>
    %ge3A_292 = arith.cmpi sge, %add3A_282, %ge3A_291 : vector<16xi32>
    %and3A_293 = arith.andi %and3A_289, %ge3A_292 : vector<16xi1>
    %lt3A_294 = arith.constant 32 : i32
    %lt3A_295 = vector.broadcast %lt3A_294 : i32 to vector<16xi32>
    %lt3A_296 = arith.cmpi slt, %add3A_282, %lt3A_295 : vector<16xi32>
    %and3A_297 = arith.andi %and3A_293, %lt3A_296 : vector<16xi1>
    %jit3A_298 = arith.constant 0 : i32
    %jit3A_299 = arith.constant 31 : i32
    %max3A_300 = vector.broadcast %jit3A_298 : i32 to vector<16xi32>
    %max3A_301 = arith.maxsi %max3A_300, %add3A_280 : vector<16xi32>
    %min3A_302 = vector.broadcast %jit3A_299 : i32 to vector<16xi32>
    %min3A_303 = arith.minsi %min3A_302, %max3A_301 : vector<16xi32>
    %mul3A_304 = arith.constant 32 : i32
    %mul3A_305 = vector.broadcast %mul3A_304 : i32 to vector<16xi32>
    %mul3A_306 = arith.muli %min3A_303, %mul3A_305 : vector<16xi32>
    %add3A_307 = arith.constant 0 : i32
    %add3A_308 = vector.broadcast %add3A_307 : i32 to vector<16xi32>
    %add3A_309 = arith.addi %add3A_308, %mul3A_306 : vector<16xi32>
    %jit3A_310 = arith.constant 0 : i32
    %jit3A_311 = arith.constant 31 : i32
    %max3A_312 = vector.broadcast %jit3A_310 : i32 to vector<16xi32>
    %max3A_313 = arith.maxsi %max3A_312, %add3A_282 : vector<16xi32>
    %min3A_314 = vector.broadcast %jit3A_311 : i32 to vector<16xi32>
    %min3A_315 = arith.minsi %min3A_314, %max3A_313 : vector<16xi32>
    %add3A_316 = arith.addi %add3A_309, %min3A_315 : vector<16xi32>
    %gather3A_317 = tpu.vector_load_idx %arg6[%add3A_316] : memref<3072xf32, #tpu.memory_space<vmem>>[vector<16xi32>], vector<16xf32>,
    %jit3A_318 = arith.constant 0.000000e+00 : f32
    %broadcast_in_dim3A_319 = vector.broadcast %jit3A_318 : f32 to vector<16xf32>
    %select_n3A_320 = arith.select %and3A_297, %gather3A_317, %broadcast_in_dim3A_319 : vector<16xi1>, vector<16xf32>
    %swap3A_321 = arith.constant 32 : index
    %swap3A_322 = tpu.vector_load %arg7[%swap3A_321] {strides = array<i32>} : memref<192xf32, #tpu.memory_space<vmem>>, vector<16xf32>,
    tpu.vector_store %arg7[%swap3A_321], %select_n3A_320 {strides = array<i32>} : memref<192xf32, #tpu.memory_space<vmem>>, vector<16xf32>,
    %add3A_323 = arith.constant 48 : i32
    %add3A_324 = vector.broadcast %add3A_323 : i32 to vector<16xi32>
    %add3A_325 = arith.addi %add3A_324, %iota3A : vector<16xi32>
    %jit3A_326 = arith.constant 8 : i32
    %div3A_327 = vector.broadcast %jit3A_326 : i32 to vector<16xi32>
    %div3A_328 = arith.divsi %add3A_325, %div3A_327 : vector<16xi32>
    %sign3A_329 = arith.constant 0 : i32
    %sign3A_330 = vector.broadcast %sign3A_329 : i32 to vector<16xi32>
    %sign3A_331 = arith.cmpi sgt, %add3A_325, %sign3A_330 : vector<16xi32>
    %sign3A_332 = arith.extui %sign3A_331 : vector<16xi1> to vector<16xi32>
    %sign3A_333 = arith.constant 0 : i32
    %sign3A_334 = vector.broadcast %sign3A_333 : i32 to vector<16xi32>
    %sign3A_335 = arith.cmpi slt, %add3A_325, %sign3A_334 : vector<16xi32>
    %sign3A_336 = arith.extui %sign3A_335 : vector<16xi1> to vector<16xi32>
    %sign3A_337 = arith.subi %sign3A_332, %sign3A_336 : vector<16xi32>
    %sign3A_338 = arith.constant 0 : i32
    %sign3A_339 = arith.cmpi sgt, %jit3A_326, %sign3A_338 : i32
    %sign3A_340 = arith.extui %sign3A_339 : i1 to i32
    %sign3A_341 = arith.constant 0 : i32
    %sign3A_342 = arith.cmpi slt, %jit3A_326, %sign3A_341 : i32
    %sign3A_343 = arith.extui %sign3A_342 : i1 to i32
    %sign3A_344 = arith.subi %sign3A_340, %sign3A_343 : i32
    %ne3A_345 = vector.broadcast %sign3A_344 : i32 to vector<16xi32>
    %ne3A_346 = arith.cmpi ne, %sign3A_337, %ne3A_345 : vector<16xi32>
    %rem3A_347 = vector.broadcast %jit3A_326 : i32 to vector<16xi32>
    %rem3A_348 = arith.remsi %add3A_325, %rem3A_347 : vector<16xi32>
    %ne3A_349 = arith.constant 0 : i32
    %ne3A_350 = vector.broadcast %ne3A_349 : i32 to vector<16xi32>
    %ne3A_351 = arith.cmpi ne, %rem3A_348, %ne3A_350 : vector<16xi32>
    %and3A_352 = arith.andi %ne3A_346, %ne3A_351 : vector<16xi1>
    %sub3A_353 = arith.constant 1 : i32
    %sub3A_354 = vector.broadcast %sub3A_353 : i32 to vector<16xi32>
    %sub3A_355 = arith.subi %div3A_328, %sub3A_354 : vector<16xi32>
    %select_n3A_356 = arith.select %and3A_352, %sub3A_355, %div3A_328 : vector<16xi1>, vector<16xi32>
    %jit3A_357 = arith.constant 8 : i32
    %eq3A_358 = arith.constant 0 : i32
    %eq3A_359 = arith.cmpi eq, %jit3A_357, %eq3A_358 : i32
    %jit3A_360 = arith.constant 1 : i32
    %select_n3A_361 = arith.select %eq3A_359, %jit3A_360, %jit3A_357 : i32
    %rem3A_362 = vector.broadcast %select_n3A_361 : i32 to vector<16xi32>
    %rem3A_363 = arith.remsi %add3A_325, %rem3A_362 : vector<16xi32>
    %ne3A_364 = arith.constant 0 : i32
    %ne3A_365 = vector.broadcast %ne3A_364 : i32 to vector<16xi32>
    %ne3A_366 = arith.cmpi ne, %rem3A_363, %ne3A_365 : vector<16xi32>
    %lt3A_367 = arith.constant 0 : i32
    %lt3A_368 = vector.broadcast %lt3A_367 : i32 to vector<16xi32>
    %lt3A_369 = arith.cmpi slt, %rem3A_363, %lt3A_368 : vector<16xi32>
    %lt3A_370 = arith.constant 0 : i32
    %lt3A_371 = arith.cmpi slt, %select_n3A_361, %lt3A_370 : i32
    %ne3A_372 = vector.broadcast %lt3A_371 : i1 to vector<16xi1>
    %ne3A_373 = vector.broadcast %ne3A_372 : vector<16xi1> to vector<16xi1>
    %ne3A_374 = arith.xori %lt3A_369, %ne3A_373 : vector<16xi1>
    %and3A_375 = arith.andi %ne3A_374, %ne3A_366 : vector<16xi1>
    %add3A_376 = vector.broadcast %select_n3A_361 : i32 to vector<16xi32>
    %add3A_377 = arith.addi %rem3A_363, %add3A_376 : vector<16xi32>
    %select_n3A_378 = arith.select %and3A_375, %add3A_377, %rem3A_363 : vector<16xi1>, vector<16xi32>
    %add3A_379 = vector.broadcast %sub3A_15 : i32 to vector<16xi32>
    %add3A_380 = arith.addi %add3A_379, %select_n3A_356 : vector<16xi32>
    %add3A_381 = vector.broadcast %sub3A_34 : i32 to vector<16xi32>
    %add3A_382 = arith.addi %add3A_381, %select_n3A_378 : vector<16xi32>
    %ge3A_383 = arith.constant 0 : i32
    %ge3A_384 = vector.broadcast %ge3A_383 : i32 to vector<16xi32>
    %ge3A_385 = arith.cmpi sge, %add3A_380, %ge3A_384 : vector<16xi32>
    %lt3A_386 = arith.constant 32 : i32
    %lt3A_387 = vector.broadcast %lt3A_386 : i32 to vector<16xi32>
    %lt3A_388 = arith.cmpi slt, %add3A_380, %lt3A_387 : vector<16xi32>
    %and3A_389 = arith.andi %ge3A_385, %lt3A_388 : vector<16xi1>
    %ge3A_390 = arith.constant 0 : i32
    %ge3A_391 = vector.broadcast %ge3A_390 : i32 to vector<16xi32>
    %ge3A_392 = arith.cmpi sge, %add3A_382, %ge3A_391 : vector<16xi32>
    %and3A_393 = arith.andi %and3A_389, %ge3A_392 : vector<16xi1>
    %lt3A_394 = arith.constant 32 : i32
    %lt3A_395 = vector.broadcast %lt3A_394 : i32 to vector<16xi32>
    %lt3A_396 = arith.cmpi slt, %add3A_382, %lt3A_395 : vector<16xi32>
    %and3A_397 = arith.andi %and3A_393, %lt3A_396 : vector<16xi1>
    %jit3A_398 = arith.constant 0 : i32
    %jit3A_399 = arith.constant 31 : i32
    %max3A_400 = vector.broadcast %jit3A_398 : i32 to vector<16xi32>
    %max3A_401 = arith.maxsi %max3A_400, %add3A_380 : vector<16xi32>
    %min3A_402 = vector.broadcast %jit3A_399 : i32 to vector<16xi32>
    %min3A_403 = arith.minsi %min3A_402, %max3A_401 : vector<16xi32>
    %mul3A_404 = arith.constant 32 : i32
    %mul3A_405 = vector.broadcast %mul3A_404 : i32 to vector<16xi32>
    %mul3A_406 = arith.muli %min3A_403, %mul3A_405 : vector<16xi32>
    %add3A_407 = arith.constant 0 : i32
    %add3A_408 = vector.broadcast %add3A_407 : i32 to vector<16xi32>
    %add3A_409 = arith.addi %add3A_408, %mul3A_406 : vector<16xi32>
    %jit3A_410 = arith.constant 0 : i32
    %jit3A_411 = arith.constant 31 : i32
    %max3A_412 = vector.broadcast %jit3A_410 : i32 to vector<16xi32>
    %max3A_413 = arith.maxsi %max3A_412, %add3A_382 : vector<16xi32>
    %min3A_414 = vector.broadcast %jit3A_411 : i32 to vector<16xi32>
    %min3A_415 = arith.minsi %min3A_414, %max3A_413 : vector<16xi32>
    %add3A_416 = arith.addi %add3A_409, %min3A_415 : vector<16xi32>
    %gather3A_417 = tpu.vector_load_idx %arg6[%add3A_416] : memref<3072xf32, #tpu.memory_space<vmem>>[vector<16xi32>], vector<16xf32>,
    %jit3A_418 = arith.constant 0.000000e+00 : f32
    %broadcast_in_dim3A_419 = vector.broadcast %jit3A_418 : f32 to vector<16xf32>
    %select_n3A_420 = arith.select %and3A_397, %gather3A_417, %broadcast_in_dim3A_419 : vector<16xi1>, vector<16xf32>
    %swap3A_421 = arith.constant 48 : index
    %swap3A_422 = tpu.vector_load %arg7[%swap3A_421] {strides = array<i32>} : memref<192xf32, #tpu.memory_space<vmem>>, vector<16xf32>,
    tpu.vector_store %arg7[%swap3A_421], %select_n3A_420 {strides = array<i32>} : memref<192xf32, #tpu.memory_space<vmem>>, vector<16xf32>,
    %add3A_423 = arith.constant 0 : i32
    %add3A_424 = vector.broadcast %add3A_423 : i32 to vector<16xi32>
    %add3A_425 = arith.addi %add3A_424, %iota3A : vector<16xi32>
    %jit3A_426 = arith.constant 8 : i32
    %div3A_427 = vector.broadcast %jit3A_426 : i32 to vector<16xi32>
    %div3A_428 = arith.divsi %add3A_425, %div3A_427 : vector<16xi32>
    %sign3A_429 = arith.constant 0 : i32
    %sign3A_430 = vector.broadcast %sign3A_429 : i32 to vector<16xi32>
    %sign3A_431 = arith.cmpi sgt, %add3A_425, %sign3A_430 : vector<16xi32>
    %sign3A_432 = arith.extui %sign3A_431 : vector<16xi1> to vector<16xi32>
    %sign3A_433 = arith.constant 0 : i32
    %sign3A_434 = vector.broadcast %sign3A_433 : i32 to vector<16xi32>
    %sign3A_435 = arith.cmpi slt, %add3A_425, %sign3A_434 : vector<16xi32>
    %sign3A_436 = arith.extui %sign3A_435 : vector<16xi1> to vector<16xi32>
    %sign3A_437 = arith.subi %sign3A_432, %sign3A_436 : vector<16xi32>
    %sign3A_438 = arith.constant 0 : i32
    %sign3A_439 = arith.cmpi sgt, %jit3A_426, %sign3A_438 : i32
    %sign3A_440 = arith.extui %sign3A_439 : i1 to i32
    %sign3A_441 = arith.constant 0 : i32
    %sign3A_442 = arith.cmpi slt, %jit3A_426, %sign3A_441 : i32
    %sign3A_443 = arith.extui %sign3A_442 : i1 to i32
    %sign3A_444 = arith.subi %sign3A_440, %sign3A_443 : i32
    %ne3A_445 = vector.broadcast %sign3A_444 : i32 to vector<16xi32>
    %ne3A_446 = arith.cmpi ne, %sign3A_437, %ne3A_445 : vector<16xi32>
    %rem3A_447 = vector.broadcast %jit3A_426 : i32 to vector<16xi32>
    %rem3A_448 = arith.remsi %add3A_425, %rem3A_447 : vector<16xi32>
    %ne3A_449 = arith.constant 0 : i32
    %ne3A_450 = vector.broadcast %ne3A_449 : i32 to vector<16xi32>
    %ne3A_451 = arith.cmpi ne, %rem3A_448, %ne3A_450 : vector<16xi32>
    %and3A_452 = arith.andi %ne3A_446, %ne3A_451 : vector<16xi1>
    %sub3A_453 = arith.constant 1 : i32
    %sub3A_454 = vector.broadcast %sub3A_453 : i32 to vector<16xi32>
    %sub3A_455 = arith.subi %div3A_428, %sub3A_454 : vector<16xi32>
    %select_n3A_456 = arith.select %and3A_452, %sub3A_455, %div3A_428 : vector<16xi1>, vector<16xi32>
    %jit3A_457 = arith.constant 8 : i32
    %eq3A_458 = arith.constant 0 : i32
    %eq3A_459 = arith.cmpi eq, %jit3A_457, %eq3A_458 : i32
    %jit3A_460 = arith.constant 1 : i32
    %select_n3A_461 = arith.select %eq3A_459, %jit3A_460, %jit3A_457 : i32
    %rem3A_462 = vector.broadcast %select_n3A_461 : i32 to vector<16xi32>
    %rem3A_463 = arith.remsi %add3A_425, %rem3A_462 : vector<16xi32>
    %ne3A_464 = arith.constant 0 : i32
    %ne3A_465 = vector.broadcast %ne3A_464 : i32 to vector<16xi32>
    %ne3A_466 = arith.cmpi ne, %rem3A_463, %ne3A_465 : vector<16xi32>
    %lt3A_467 = arith.constant 0 : i32
    %lt3A_468 = vector.broadcast %lt3A_467 : i32 to vector<16xi32>
    %lt3A_469 = arith.cmpi slt, %rem3A_463, %lt3A_468 : vector<16xi32>
    %lt3A_470 = arith.constant 0 : i32
    %lt3A_471 = arith.cmpi slt, %select_n3A_461, %lt3A_470 : i32
    %ne3A_472 = vector.broadcast %lt3A_471 : i1 to vector<16xi1>
    %ne3A_473 = vector.broadcast %ne3A_472 : vector<16xi1> to vector<16xi1>
    %ne3A_474 = arith.xori %lt3A_469, %ne3A_473 : vector<16xi1>
    %and3A_475 = arith.andi %ne3A_474, %ne3A_466 : vector<16xi1>
    %add3A_476 = vector.broadcast %select_n3A_461 : i32 to vector<16xi32>
    %add3A_477 = arith.addi %rem3A_463, %add3A_476 : vector<16xi32>
    %select_n3A_478 = arith.select %and3A_475, %add3A_477, %rem3A_463 : vector<16xi1>, vector<16xi32>
    %add3A_479 = vector.broadcast %sub3A_15 : i32 to vector<16xi32>
    %add3A_480 = arith.addi %add3A_479, %select_n3A_456 : vector<16xi32>
    %add3A_481 = vector.broadcast %sub3A_34 : i32 to vector<16xi32>
    %add3A_482 = arith.addi %add3A_481, %select_n3A_478 : vector<16xi32>
    %ge3A_483 = arith.constant 0 : i32
    %ge3A_484 = vector.broadcast %ge3A_483 : i32 to vector<16xi32>
    %ge3A_485 = arith.cmpi sge, %add3A_480, %ge3A_484 : vector<16xi32>
    %lt3A_486 = arith.constant 32 : i32
    %lt3A_487 = vector.broadcast %lt3A_486 : i32 to vector<16xi32>
    %lt3A_488 = arith.cmpi slt, %add3A_480, %lt3A_487 : vector<16xi32>
    %and3A_489 = arith.andi %ge3A_485, %lt3A_488 : vector<16xi1>
    %ge3A_490 = arith.constant 0 : i32
    %ge3A_491 = vector.broadcast %ge3A_490 : i32 to vector<16xi32>
    %ge3A_492 = arith.cmpi sge, %add3A_482, %ge3A_491 : vector<16xi32>
    %and3A_493 = arith.andi %and3A_489, %ge3A_492 : vector<16xi1>
    %lt3A_494 = arith.constant 32 : i32
    %lt3A_495 = vector.broadcast %lt3A_494 : i32 to vector<16xi32>
    %lt3A_496 = arith.cmpi slt, %add3A_482, %lt3A_495 : vector<16xi32>
    %and3A_497 = arith.andi %and3A_493, %lt3A_496 : vector<16xi1>
    %jit3A_498 = arith.constant 0 : i32
    %jit3A_499 = arith.constant 31 : i32
    %max3A_500 = vector.broadcast %jit3A_498 : i32 to vector<16xi32>
    %max3A_501 = arith.maxsi %max3A_500, %add3A_480 : vector<16xi32>
    %min3A_502 = vector.broadcast %jit3A_499 : i32 to vector<16xi32>
    %min3A_503 = arith.minsi %min3A_502, %max3A_501 : vector<16xi32>
    %mul3A_504 = arith.constant 32 : i32
    %mul3A_505 = vector.broadcast %mul3A_504 : i32 to vector<16xi32>
    %mul3A_506 = arith.muli %min3A_503, %mul3A_505 : vector<16xi32>
    %add3A_507 = arith.constant 1024 : i32
    %add3A_508 = vector.broadcast %add3A_507 : i32 to vector<16xi32>
    %add3A_509 = arith.addi %add3A_508, %mul3A_506 : vector<16xi32>
    %jit3A_510 = arith.constant 0 : i32
    %jit3A_511 = arith.constant 31 : i32
    %max3A_512 = vector.broadcast %jit3A_510 : i32 to vector<16xi32>
    %max3A_513 = arith.maxsi %max3A_512, %add3A_482 : vector<16xi32>
    %min3A_514 = vector.broadcast %jit3A_511 : i32 to vector<16xi32>
    %min3A_515 = arith.minsi %min3A_514, %max3A_513 : vector<16xi32>
    %add3A_516 = arith.addi %add3A_509, %min3A_515 : vector<16xi32>
    %gather3A_517 = tpu.vector_load_idx %arg6[%add3A_516] : memref<3072xf32, #tpu.memory_space<vmem>>[vector<16xi32>], vector<16xf32>,
    %jit3A_518 = arith.constant 0.000000e+00 : f32
    %broadcast_in_dim3A_519 = vector.broadcast %jit3A_518 : f32 to vector<16xf32>
    %select_n3A_520 = arith.select %and3A_497, %gather3A_517, %broadcast_in_dim3A_519 : vector<16xi1>, vector<16xf32>
    %swap3A_521 = arith.constant 64 : index
    %swap3A_522 = tpu.vector_load %arg7[%swap3A_521] {strides = array<i32>} : memref<192xf32, #tpu.memory_space<vmem>>, vector<16xf32>,
    tpu.vector_store %arg7[%swap3A_521], %select_n3A_520 {strides = array<i32>} : memref<192xf32, #tpu.memory_space<vmem>>, vector<16xf32>,
    %add3A_523 = arith.constant 16 : i32
    %add3A_524 = vector.broadcast %add3A_523 : i32 to vector<16xi32>
    %add3A_525 = arith.addi %add3A_524, %iota3A : vector<16xi32>
    %jit3A_526 = arith.constant 8 : i32
    %div3A_527 = vector.broadcast %jit3A_526 : i32 to vector<16xi32>
    %div3A_528 = arith.divsi %add3A_525, %div3A_527 : vector<16xi32>
    %sign3A_529 = arith.constant 0 : i32
    %sign3A_530 = vector.broadcast %sign3A_529 : i32 to vector<16xi32>
    %sign3A_531 = arith.cmpi sgt, %add3A_525, %sign3A_530 : vector<16xi32>
    %sign3A_532 = arith.extui %sign3A_531 : vector<16xi1> to vector<16xi32>
    %sign3A_533 = arith.constant 0 : i32
    %sign3A_534 = vector.broadcast %sign3A_533 : i32 to vector<16xi32>
    %sign3A_535 = arith.cmpi slt, %add3A_525, %sign3A_534 : vector<16xi32>
    %sign3A_536 = arith.extui %sign3A_535 : vector<16xi1> to vector<16xi32>
    %sign3A_537 = arith.subi %sign3A_532, %sign3A_536 : vector<16xi32>
    %sign3A_538 = arith.constant 0 : i32
    %sign3A_539 = arith.cmpi sgt, %jit3A_526, %sign3A_538 : i32
    %sign3A_540 = arith.extui %sign3A_539 : i1 to i32
    %sign3A_541 = arith.constant 0 : i32
    %sign3A_542 = arith.cmpi slt, %jit3A_526, %sign3A_541 : i32
    %sign3A_543 = arith.extui %sign3A_542 : i1 to i32
    %sign3A_544 = arith.subi %sign3A_540, %sign3A_543 : i32
    %ne3A_545 = vector.broadcast %sign3A_544 : i32 to vector<16xi32>
    %ne3A_546 = arith.cmpi ne, %sign3A_537, %ne3A_545 : vector<16xi32>
    %rem3A_547 = vector.broadcast %jit3A_526 : i32 to vector<16xi32>
    %rem3A_548 = arith.remsi %add3A_525, %rem3A_547 : vector<16xi32>
    %ne3A_549 = arith.constant 0 : i32
    %ne3A_550 = vector.broadcast %ne3A_549 : i32 to vector<16xi32>
    %ne3A_551 = arith.cmpi ne, %rem3A_548, %ne3A_550 : vector<16xi32>
    %and3A_552 = arith.andi %ne3A_546, %ne3A_551 : vector<16xi1>
    %sub3A_553 = arith.constant 1 : i32
    %sub3A_554 = vector.broadcast %sub3A_553 : i32 to vector<16xi32>
    %sub3A_555 = arith.subi %div3A_528, %sub3A_554 : vector<16xi32>
    %select_n3A_556 = arith.select %and3A_552, %sub3A_555, %div3A_528 : vector<16xi1>, vector<16xi32>
    %jit3A_557 = arith.constant 8 : i32
    %eq3A_558 = arith.constant 0 : i32
    %eq3A_559 = arith.cmpi eq, %jit3A_557, %eq3A_558 : i32
    %jit3A_560 = arith.constant 1 : i32
    %select_n3A_561 = arith.select %eq3A_559, %jit3A_560, %jit3A_557 : i32
    %rem3A_562 = vector.broadcast %select_n3A_561 : i32 to vector<16xi32>
    %rem3A_563 = arith.remsi %add3A_525, %rem3A_562 : vector<16xi32>
    %ne3A_564 = arith.constant 0 : i32
    %ne3A_565 = vector.broadcast %ne3A_564 : i32 to vector<16xi32>
    %ne3A_566 = arith.cmpi ne, %rem3A_563, %ne3A_565 : vector<16xi32>
    %lt3A_567 = arith.constant 0 : i32
    %lt3A_568 = vector.broadcast %lt3A_567 : i32 to vector<16xi32>
    %lt3A_569 = arith.cmpi slt, %rem3A_563, %lt3A_568 : vector<16xi32>
    %lt3A_570 = arith.constant 0 : i32
    %lt3A_571 = arith.cmpi slt, %select_n3A_561, %lt3A_570 : i32
    %ne3A_572 = vector.broadcast %lt3A_571 : i1 to vector<16xi1>
    %ne3A_573 = vector.broadcast %ne3A_572 : vector<16xi1> to vector<16xi1>
    %ne3A_574 = arith.xori %lt3A_569, %ne3A_573 : vector<16xi1>
    %and3A_575 = arith.andi %ne3A_574, %ne3A_566 : vector<16xi1>
    %add3A_576 = vector.broadcast %select_n3A_561 : i32 to vector<16xi32>
    %add3A_577 = arith.addi %rem3A_563, %add3A_576 : vector<16xi32>
    %select_n3A_578 = arith.select %and3A_575, %add3A_577, %rem3A_563 : vector<16xi1>, vector<16xi32>
    %add3A_579 = vector.broadcast %sub3A_15 : i32 to vector<16xi32>
    %add3A_580 = arith.addi %add3A_579, %select_n3A_556 : vector<16xi32>
    %add3A_581 = vector.broadcast %sub3A_34 : i32 to vector<16xi32>
    %add3A_582 = arith.addi %add3A_581, %select_n3A_578 : vector<16xi32>
    %ge3A_583 = arith.constant 0 : i32
    %ge3A_584 = vector.broadcast %ge3A_583 : i32 to vector<16xi32>
    %ge3A_585 = arith.cmpi sge, %add3A_580, %ge3A_584 : vector<16xi32>
    %lt3A_586 = arith.constant 32 : i32
    %lt3A_587 = vector.broadcast %lt3A_586 : i32 to vector<16xi32>
    %lt3A_588 = arith.cmpi slt, %add3A_580, %lt3A_587 : vector<16xi32>
    %and3A_589 = arith.andi %ge3A_585, %lt3A_588 : vector<16xi1>
    %ge3A_590 = arith.constant 0 : i32
    %ge3A_591 = vector.broadcast %ge3A_590 : i32 to vector<16xi32>
    %ge3A_592 = arith.cmpi sge, %add3A_582, %ge3A_591 : vector<16xi32>
    %and3A_593 = arith.andi %and3A_589, %ge3A_592 : vector<16xi1>
    %lt3A_594 = arith.constant 32 : i32
    %lt3A_595 = vector.broadcast %lt3A_594 : i32 to vector<16xi32>
    %lt3A_596 = arith.cmpi slt, %add3A_582, %lt3A_595 : vector<16xi32>
    %and3A_597 = arith.andi %and3A_593, %lt3A_596 : vector<16xi1>
    %jit3A_598 = arith.constant 0 : i32
    %jit3A_599 = arith.constant 31 : i32
    %max3A_600 = vector.broadcast %jit3A_598 : i32 to vector<16xi32>
    %max3A_601 = arith.maxsi %max3A_600, %add3A_580 : vector<16xi32>
    %min3A_602 = vector.broadcast %jit3A_599 : i32 to vector<16xi32>
    %min3A_603 = arith.minsi %min3A_602, %max3A_601 : vector<16xi32>
    %mul3A_604 = arith.constant 32 : i32
    %mul3A_605 = vector.broadcast %mul3A_604 : i32 to vector<16xi32>
    %mul3A_606 = arith.muli %min3A_603, %mul3A_605 : vector<16xi32>
    %add3A_607 = arith.constant 1024 : i32
    %add3A_608 = vector.broadcast %add3A_607 : i32 to vector<16xi32>
    %add3A_609 = arith.addi %add3A_608, %mul3A_606 : vector<16xi32>
    %jit3A_610 = arith.constant 0 : i32
    %jit3A_611 = arith.constant 31 : i32
    %max3A_612 = vector.broadcast %jit3A_610 : i32 to vector<16xi32>
    %max3A_613 = arith.maxsi %max3A_612, %add3A_582 : vector<16xi32>
    %min3A_614 = vector.broadcast %jit3A_611 : i32 to vector<16xi32>
    %min3A_615 = arith.minsi %min3A_614, %max3A_613 : vector<16xi32>
    %add3A_616 = arith.addi %add3A_609, %min3A_615 : vector<16xi32>
    %gather3A_617 = tpu.vector_load_idx %arg6[%add3A_616] : memref<3072xf32, #tpu.memory_space<vmem>>[vector<16xi32>], vector<16xf32>,
    %jit3A_618 = arith.constant 0.000000e+00 : f32
    %broadcast_in_dim3A_619 = vector.broadcast %jit3A_618 : f32 to vector<16xf32>
    %select_n3A_620 = arith.select %and3A_597, %gather3A_617, %broadcast_in_dim3A_619 : vector<16xi1>, vector<16xf32>
    %swap3A_621 = arith.constant 80 : index
    %swap3A_622 = tpu.vector_load %arg7[%swap3A_621] {strides = array<i32>} : memref<192xf32, #tpu.memory_space<vmem>>, vector<16xf32>,
    tpu.vector_store %arg7[%swap3A_621], %select_n3A_620 {strides = array<i32>} : memref<192xf32, #tpu.memory_space<vmem>>, vector<16xf32>,
    %add3A_623 = arith.constant 32 : i32
    %add3A_624 = vector.broadcast %add3A_623 : i32 to vector<16xi32>
    %add3A_625 = arith.addi %add3A_624, %iota3A : vector<16xi32>
    %jit3A_626 = arith.constant 8 : i32
    %div3A_627 = vector.broadcast %jit3A_626 : i32 to vector<16xi32>
    %div3A_628 = arith.divsi %add3A_625, %div3A_627 : vector<16xi32>
    %sign3A_629 = arith.constant 0 : i32
    %sign3A_630 = vector.broadcast %sign3A_629 : i32 to vector<16xi32>
    %sign3A_631 = arith.cmpi sgt, %add3A_625, %sign3A_630 : vector<16xi32>
    %sign3A_632 = arith.extui %sign3A_631 : vector<16xi1> to vector<16xi32>
    %sign3A_633 = arith.constant 0 : i32
    %sign3A_634 = vector.broadcast %sign3A_633 : i32 to vector<16xi32>
    %sign3A_635 = arith.cmpi slt, %add3A_625, %sign3A_634 : vector<16xi32>
    %sign3A_636 = arith.extui %sign3A_635 : vector<16xi1> to vector<16xi32>
    %sign3A_637 = arith.subi %sign3A_632, %sign3A_636 : vector<16xi32>
    %sign3A_638 = arith.constant 0 : i32
    %sign3A_639 = arith.cmpi sgt, %jit3A_626, %sign3A_638 : i32
    %sign3A_640 = arith.extui %sign3A_639 : i1 to i32
    %sign3A_641 = arith.constant 0 : i32
    %sign3A_642 = arith.cmpi slt, %jit3A_626, %sign3A_641 : i32
    %sign3A_643 = arith.extui %sign3A_642 : i1 to i32
    %sign3A_644 = arith.subi %sign3A_640, %sign3A_643 : i32
    %ne3A_645 = vector.broadcast %sign3A_644 : i32 to vector<16xi32>
    %ne3A_646 = arith.cmpi ne, %sign3A_637, %ne3A_645 : vector<16xi32>
    %rem3A_647 = vector.broadcast %jit3A_626 : i32 to vector<16xi32>
    %rem3A_648 = arith.remsi %add3A_625, %rem3A_647 : vector<16xi32>
    %ne3A_649 = arith.constant 0 : i32
    %ne3A_650 = vector.broadcast %ne3A_649 : i32 to vector<16xi32>
    %ne3A_651 = arith.cmpi ne, %rem3A_648, %ne3A_650 : vector<16xi32>
    %and3A_652 = arith.andi %ne3A_646, %ne3A_651 : vector<16xi1>
    %sub3A_653 = arith.constant 1 : i32
    %sub3A_654 = vector.broadcast %sub3A_653 : i32 to vector<16xi32>
    %sub3A_655 = arith.subi %div3A_628, %sub3A_654 : vector<16xi32>
    %select_n3A_656 = arith.select %and3A_652, %sub3A_655, %div3A_628 : vector<16xi1>, vector<16xi32>
    %jit3A_657 = arith.constant 8 : i32
    %eq3A_658 = arith.constant 0 : i32
    %eq3A_659 = arith.cmpi eq, %jit3A_657, %eq3A_658 : i32
    %jit3A_660 = arith.constant 1 : i32
    %select_n3A_661 = arith.select %eq3A_659, %jit3A_660, %jit3A_657 : i32
    %rem3A_662 = vector.broadcast %select_n3A_661 : i32 to vector<16xi32>
    %rem3A_663 = arith.remsi %add3A_625, %rem3A_662 : vector<16xi32>
    %ne3A_664 = arith.constant 0 : i32
    %ne3A_665 = vector.broadcast %ne3A_664 : i32 to vector<16xi32>
    %ne3A_666 = arith.cmpi ne, %rem3A_663, %ne3A_665 : vector<16xi32>
    %lt3A_667 = arith.constant 0 : i32
    %lt3A_668 = vector.broadcast %lt3A_667 : i32 to vector<16xi32>
    %lt3A_669 = arith.cmpi slt, %rem3A_663, %lt3A_668 : vector<16xi32>
    %lt3A_670 = arith.constant 0 : i32
    %lt3A_671 = arith.cmpi slt, %select_n3A_661, %lt3A_670 : i32
    %ne3A_672 = vector.broadcast %lt3A_671 : i1 to vector<16xi1>
    %ne3A_673 = vector.broadcast %ne3A_672 : vector<16xi1> to vector<16xi1>
    %ne3A_674 = arith.xori %lt3A_669, %ne3A_673 : vector<16xi1>
    %and3A_675 = arith.andi %ne3A_674, %ne3A_666 : vector<16xi1>
    %add3A_676 = vector.broadcast %select_n3A_661 : i32 to vector<16xi32>
    %add3A_677 = arith.addi %rem3A_663, %add3A_676 : vector<16xi32>
    %select_n3A_678 = arith.select %and3A_675, %add3A_677, %rem3A_663 : vector<16xi1>, vector<16xi32>
    %add3A_679 = vector.broadcast %sub3A_15 : i32 to vector<16xi32>
    %add3A_680 = arith.addi %add3A_679, %select_n3A_656 : vector<16xi32>
    %add3A_681 = vector.broadcast %sub3A_34 : i32 to vector<16xi32>
    %add3A_682 = arith.addi %add3A_681, %select_n3A_678 : vector<16xi32>
    %ge3A_683 = arith.constant 0 : i32
    %ge3A_684 = vector.broadcast %ge3A_683 : i32 to vector<16xi32>
    %ge3A_685 = arith.cmpi sge, %add3A_680, %ge3A_684 : vector<16xi32>
    %lt3A_686 = arith.constant 32 : i32
    %lt3A_687 = vector.broadcast %lt3A_686 : i32 to vector<16xi32>
    %lt3A_688 = arith.cmpi slt, %add3A_680, %lt3A_687 : vector<16xi32>
    %and3A_689 = arith.andi %ge3A_685, %lt3A_688 : vector<16xi1>
    %ge3A_690 = arith.constant 0 : i32
    %ge3A_691 = vector.broadcast %ge3A_690 : i32 to vector<16xi32>
    %ge3A_692 = arith.cmpi sge, %add3A_682, %ge3A_691 : vector<16xi32>
    %and3A_693 = arith.andi %and3A_689, %ge3A_692 : vector<16xi1>
    %lt3A_694 = arith.constant 32 : i32
    %lt3A_695 = vector.broadcast %lt3A_694 : i32 to vector<16xi32>
    %lt3A_696 = arith.cmpi slt, %add3A_682, %lt3A_695 : vector<16xi32>
    %and3A_697 = arith.andi %and3A_693, %lt3A_696 : vector<16xi1>
    %jit3A_698 = arith.constant 0 : i32
    %jit3A_699 = arith.constant 31 : i32
    %max3A_700 = vector.broadcast %jit3A_698 : i32 to vector<16xi32>
    %max3A_701 = arith.maxsi %max3A_700, %add3A_680 : vector<16xi32>
    %min3A_702 = vector.broadcast %jit3A_699 : i32 to vector<16xi32>
    %min3A_703 = arith.minsi %min3A_702, %max3A_701 : vector<16xi32>
    %mul3A_704 = arith.constant 32 : i32
    %mul3A_705 = vector.broadcast %mul3A_704 : i32 to vector<16xi32>
    %mul3A_706 = arith.muli %min3A_703, %mul3A_705 : vector<16xi32>
    %add3A_707 = arith.constant 1024 : i32
    %add3A_708 = vector.broadcast %add3A_707 : i32 to vector<16xi32>
    %add3A_709 = arith.addi %add3A_708, %mul3A_706 : vector<16xi32>
    %jit3A_710 = arith.constant 0 : i32
    %jit3A_711 = arith.constant 31 : i32
    %max3A_712 = vector.broadcast %jit3A_710 : i32 to vector<16xi32>
    %max3A_713 = arith.maxsi %max3A_712, %add3A_682 : vector<16xi32>
    %min3A_714 = vector.broadcast %jit3A_711 : i32 to vector<16xi32>
    %min3A_715 = arith.minsi %min3A_714, %max3A_713 : vector<16xi32>
    %add3A_716 = arith.addi %add3A_709, %min3A_715 : vector<16xi32>
    %gather3A_717 = tpu.vector_load_idx %arg6[%add3A_716] : memref<3072xf32, #tpu.memory_space<vmem>>[vector<16xi32>], vector<16xf32>,
    %jit3A_718 = arith.constant 0.000000e+00 : f32
    %broadcast_in_dim3A_719 = vector.broadcast %jit3A_718 : f32 to vector<16xf32>
    %select_n3A_720 = arith.select %and3A_697, %gather3A_717, %broadcast_in_dim3A_719 : vector<16xi1>, vector<16xf32>
    %swap3A_721 = arith.constant 96 : index
    %swap3A_722 = tpu.vector_load %arg7[%swap3A_721] {strides = array<i32>} : memref<192xf32, #tpu.memory_space<vmem>>, vector<16xf32>,
    tpu.vector_store %arg7[%swap3A_721], %select_n3A_720 {strides = array<i32>} : memref<192xf32, #tpu.memory_space<vmem>>, vector<16xf32>,
    %add3A_723 = arith.constant 48 : i32
    %add3A_724 = vector.broadcast %add3A_723 : i32 to vector<16xi32>
    %add3A_725 = arith.addi %add3A_724, %iota3A : vector<16xi32>
    %jit3A_726 = arith.constant 8 : i32
    %div3A_727 = vector.broadcast %jit3A_726 : i32 to vector<16xi32>
    %div3A_728 = arith.divsi %add3A_725, %div3A_727 : vector<16xi32>
    %sign3A_729 = arith.constant 0 : i32
    %sign3A_730 = vector.broadcast %sign3A_729 : i32 to vector<16xi32>
    %sign3A_731 = arith.cmpi sgt, %add3A_725, %sign3A_730 : vector<16xi32>
    %sign3A_732 = arith.extui %sign3A_731 : vector<16xi1> to vector<16xi32>
    %sign3A_733 = arith.constant 0 : i32
    %sign3A_734 = vector.broadcast %sign3A_733 : i32 to vector<16xi32>
    %sign3A_735 = arith.cmpi slt, %add3A_725, %sign3A_734 : vector<16xi32>
    %sign3A_736 = arith.extui %sign3A_735 : vector<16xi1> to vector<16xi32>
    %sign3A_737 = arith.subi %sign3A_732, %sign3A_736 : vector<16xi32>
    %sign3A_738 = arith.constant 0 : i32
    %sign3A_739 = arith.cmpi sgt, %jit3A_726, %sign3A_738 : i32
    %sign3A_740 = arith.extui %sign3A_739 : i1 to i32
    %sign3A_741 = arith.constant 0 : i32
    %sign3A_742 = arith.cmpi slt, %jit3A_726, %sign3A_741 : i32
    %sign3A_743 = arith.extui %sign3A_742 : i1 to i32
    %sign3A_744 = arith.subi %sign3A_740, %sign3A_743 : i32
    %ne3A_745 = vector.broadcast %sign3A_744 : i32 to vector<16xi32>
    %ne3A_746 = arith.cmpi ne, %sign3A_737, %ne3A_745 : vector<16xi32>
    %rem3A_747 = vector.broadcast %jit3A_726 : i32 to vector<16xi32>
    %rem3A_748 = arith.remsi %add3A_725, %rem3A_747 : vector<16xi32>
    %ne3A_749 = arith.constant 0 : i32
    %ne3A_750 = vector.broadcast %ne3A_749 : i32 to vector<16xi32>
    %ne3A_751 = arith.cmpi ne, %rem3A_748, %ne3A_750 : vector<16xi32>
    %and3A_752 = arith.andi %ne3A_746, %ne3A_751 : vector<16xi1>
    %sub3A_753 = arith.constant 1 : i32
    %sub3A_754 = vector.broadcast %sub3A_753 : i32 to vector<16xi32>
    %sub3A_755 = arith.subi %div3A_728, %sub3A_754 : vector<16xi32>
    %select_n3A_756 = arith.select %and3A_752, %sub3A_755, %div3A_728 : vector<16xi1>, vector<16xi32>
    %jit3A_757 = arith.constant 8 : i32
    %eq3A_758 = arith.constant 0 : i32
    %eq3A_759 = arith.cmpi eq, %jit3A_757, %eq3A_758 : i32
    %jit3A_760 = arith.constant 1 : i32
    %select_n3A_761 = arith.select %eq3A_759, %jit3A_760, %jit3A_757 : i32
    %rem3A_762 = vector.broadcast %select_n3A_761 : i32 to vector<16xi32>
    %rem3A_763 = arith.remsi %add3A_725, %rem3A_762 : vector<16xi32>
    %ne3A_764 = arith.constant 0 : i32
    %ne3A_765 = vector.broadcast %ne3A_764 : i32 to vector<16xi32>
    %ne3A_766 = arith.cmpi ne, %rem3A_763, %ne3A_765 : vector<16xi32>
    %lt3A_767 = arith.constant 0 : i32
    %lt3A_768 = vector.broadcast %lt3A_767 : i32 to vector<16xi32>
    %lt3A_769 = arith.cmpi slt, %rem3A_763, %lt3A_768 : vector<16xi32>
    %lt3A_770 = arith.constant 0 : i32
    %lt3A_771 = arith.cmpi slt, %select_n3A_761, %lt3A_770 : i32
    %ne3A_772 = vector.broadcast %lt3A_771 : i1 to vector<16xi1>
    %ne3A_773 = vector.broadcast %ne3A_772 : vector<16xi1> to vector<16xi1>
    %ne3A_774 = arith.xori %lt3A_769, %ne3A_773 : vector<16xi1>
    %and3A_775 = arith.andi %ne3A_774, %ne3A_766 : vector<16xi1>
    %add3A_776 = vector.broadcast %select_n3A_761 : i32 to vector<16xi32>
    %add3A_777 = arith.addi %rem3A_763, %add3A_776 : vector<16xi32>
    %select_n3A_778 = arith.select %and3A_775, %add3A_777, %rem3A_763 : vector<16xi1>, vector<16xi32>
    %add3A_779 = vector.broadcast %sub3A_15 : i32 to vector<16xi32>
    %add3A_780 = arith.addi %add3A_779, %select_n3A_756 : vector<16xi32>
    %add3A_781 = vector.broadcast %sub3A_34 : i32 to vector<16xi32>
    %add3A_782 = arith.addi %add3A_781, %select_n3A_778 : vector<16xi32>
    %ge3A_783 = arith.constant 0 : i32
    %ge3A_784 = vector.broadcast %ge3A_783 : i32 to vector<16xi32>
    %ge3A_785 = arith.cmpi sge, %add3A_780, %ge3A_784 : vector<16xi32>
    %lt3A_786 = arith.constant 32 : i32
    %lt3A_787 = vector.broadcast %lt3A_786 : i32 to vector<16xi32>
    %lt3A_788 = arith.cmpi slt, %add3A_780, %lt3A_787 : vector<16xi32>
    %and3A_789 = arith.andi %ge3A_785, %lt3A_788 : vector<16xi1>
    %ge3A_790 = arith.constant 0 : i32
    %ge3A_791 = vector.broadcast %ge3A_790 : i32 to vector<16xi32>
    %ge3A_792 = arith.cmpi sge, %add3A_782, %ge3A_791 : vector<16xi32>
    %and3A_793 = arith.andi %and3A_789, %ge3A_792 : vector<16xi1>
    %lt3A_794 = arith.constant 32 : i32
    %lt3A_795 = vector.broadcast %lt3A_794 : i32 to vector<16xi32>
    %lt3A_796 = arith.cmpi slt, %add3A_782, %lt3A_795 : vector<16xi32>
    %and3A_797 = arith.andi %and3A_793, %lt3A_796 : vector<16xi1>
    %jit3A_798 = arith.constant 0 : i32
    %jit3A_799 = arith.constant 31 : i32
    %max3A_800 = vector.broadcast %jit3A_798 : i32 to vector<16xi32>
    %max3A_801 = arith.maxsi %max3A_800, %add3A_780 : vector<16xi32>
    %min3A_802 = vector.broadcast %jit3A_799 : i32 to vector<16xi32>
    %min3A_803 = arith.minsi %min3A_802, %max3A_801 : vector<16xi32>
    %mul3A_804 = arith.constant 32 : i32
    %mul3A_805 = vector.broadcast %mul3A_804 : i32 to vector<16xi32>
    %mul3A_806 = arith.muli %min3A_803, %mul3A_805 : vector<16xi32>
    %add3A_807 = arith.constant 1024 : i32
    %add3A_808 = vector.broadcast %add3A_807 : i32 to vector<16xi32>
    %add3A_809 = arith.addi %add3A_808, %mul3A_806 : vector<16xi32>
    %jit3A_810 = arith.constant 0 : i32
    %jit3A_811 = arith.constant 31 : i32
    %max3A_812 = vector.broadcast %jit3A_810 : i32 to vector<16xi32>
    %max3A_813 = arith.maxsi %max3A_812, %add3A_782 : vector<16xi32>
    %min3A_814 = vector.broadcast %jit3A_811 : i32 to vector<16xi32>
    %min3A_815 = arith.minsi %min3A_814, %max3A_813 : vector<16xi32>
    %add3A_816 = arith.addi %add3A_809, %min3A_815 : vector<16xi32>
    %gather3A_817 = tpu.vector_load_idx %arg6[%add3A_816] : memref<3072xf32, #tpu.memory_space<vmem>>[vector<16xi32>], vector<16xf32>,
    %jit3A_818 = arith.constant 0.000000e+00 : f32
    %broadcast_in_dim3A_819 = vector.broadcast %jit3A_818 : f32 to vector<16xf32>
    %select_n3A_820 = arith.select %and3A_797, %gather3A_817, %broadcast_in_dim3A_819 : vector<16xi1>, vector<16xf32>
    %swap3A_821 = arith.constant 112 : index
    %swap3A_822 = tpu.vector_load %arg7[%swap3A_821] {strides = array<i32>} : memref<192xf32, #tpu.memory_space<vmem>>, vector<16xf32>,
    tpu.vector_store %arg7[%swap3A_821], %select_n3A_820 {strides = array<i32>} : memref<192xf32, #tpu.memory_space<vmem>>, vector<16xf32>,
    %add3A_823 = arith.constant 0 : i32
    %add3A_824 = vector.broadcast %add3A_823 : i32 to vector<16xi32>
    %add3A_825 = arith.addi %add3A_824, %iota3A : vector<16xi32>
    %jit3A_826 = arith.constant 8 : i32
    %div3A_827 = vector.broadcast %jit3A_826 : i32 to vector<16xi32>
    %div3A_828 = arith.divsi %add3A_825, %div3A_827 : vector<16xi32>
    %sign3A_829 = arith.constant 0 : i32
    %sign3A_830 = vector.broadcast %sign3A_829 : i32 to vector<16xi32>
    %sign3A_831 = arith.cmpi sgt, %add3A_825, %sign3A_830 : vector<16xi32>
    %sign3A_832 = arith.extui %sign3A_831 : vector<16xi1> to vector<16xi32>
    %sign3A_833 = arith.constant 0 : i32
    %sign3A_834 = vector.broadcast %sign3A_833 : i32 to vector<16xi32>
    %sign3A_835 = arith.cmpi slt, %add3A_825, %sign3A_834 : vector<16xi32>
    %sign3A_836 = arith.extui %sign3A_835 : vector<16xi1> to vector<16xi32>
    %sign3A_837 = arith.subi %sign3A_832, %sign3A_836 : vector<16xi32>
    %sign3A_838 = arith.constant 0 : i32
    %sign3A_839 = arith.cmpi sgt, %jit3A_826, %sign3A_838 : i32
    %sign3A_840 = arith.extui %sign3A_839 : i1 to i32
    %sign3A_841 = arith.constant 0 : i32
    %sign3A_842 = arith.cmpi slt, %jit3A_826, %sign3A_841 : i32
    %sign3A_843 = arith.extui %sign3A_842 : i1 to i32
    %sign3A_844 = arith.subi %sign3A_840, %sign3A_843 : i32
    %ne3A_845 = vector.broadcast %sign3A_844 : i32 to vector<16xi32>
    %ne3A_846 = arith.cmpi ne, %sign3A_837, %ne3A_845 : vector<16xi32>
    %rem3A_847 = vector.broadcast %jit3A_826 : i32 to vector<16xi32>
    %rem3A_848 = arith.remsi %add3A_825, %rem3A_847 : vector<16xi32>
    %ne3A_849 = arith.constant 0 : i32
    %ne3A_850 = vector.broadcast %ne3A_849 : i32 to vector<16xi32>
    %ne3A_851 = arith.cmpi ne, %rem3A_848, %ne3A_850 : vector<16xi32>
    %and3A_852 = arith.andi %ne3A_846, %ne3A_851 : vector<16xi1>
    %sub3A_853 = arith.constant 1 : i32
    %sub3A_854 = vector.broadcast %sub3A_853 : i32 to vector<16xi32>
    %sub3A_855 = arith.subi %div3A_828, %sub3A_854 : vector<16xi32>
    %select_n3A_856 = arith.select %and3A_852, %sub3A_855, %div3A_828 : vector<16xi1>, vector<16xi32>
    %jit3A_857 = arith.constant 8 : i32
    %eq3A_858 = arith.constant 0 : i32
    %eq3A_859 = arith.cmpi eq, %jit3A_857, %eq3A_858 : i32
    %jit3A_860 = arith.constant 1 : i32
    %select_n3A_861 = arith.select %eq3A_859, %jit3A_860, %jit3A_857 : i32
    %rem3A_862 = vector.broadcast %select_n3A_861 : i32 to vector<16xi32>
    %rem3A_863 = arith.remsi %add3A_825, %rem3A_862 : vector<16xi32>
    %ne3A_864 = arith.constant 0 : i32
    %ne3A_865 = vector.broadcast %ne3A_864 : i32 to vector<16xi32>
    %ne3A_866 = arith.cmpi ne, %rem3A_863, %ne3A_865 : vector<16xi32>
    %lt3A_867 = arith.constant 0 : i32
    %lt3A_868 = vector.broadcast %lt3A_867 : i32 to vector<16xi32>
    %lt3A_869 = arith.cmpi slt, %rem3A_863, %lt3A_868 : vector<16xi32>
    %lt3A_870 = arith.constant 0 : i32
    %lt3A_871 = arith.cmpi slt, %select_n3A_861, %lt3A_870 : i32
    %ne3A_872 = vector.broadcast %lt3A_871 : i1 to vector<16xi1>
    %ne3A_873 = vector.broadcast %ne3A_872 : vector<16xi1> to vector<16xi1>
    %ne3A_874 = arith.xori %lt3A_869, %ne3A_873 : vector<16xi1>
    %and3A_875 = arith.andi %ne3A_874, %ne3A_866 : vector<16xi1>
    %add3A_876 = vector.broadcast %select_n3A_861 : i32 to vector<16xi32>
    %add3A_877 = arith.addi %rem3A_863, %add3A_876 : vector<16xi32>
    %select_n3A_878 = arith.select %and3A_875, %add3A_877, %rem3A_863 : vector<16xi1>, vector<16xi32>
    %add3A_879 = vector.broadcast %sub3A_15 : i32 to vector<16xi32>
    %add3A_880 = arith.addi %add3A_879, %select_n3A_856 : vector<16xi32>
    %add3A_881 = vector.broadcast %sub3A_34 : i32 to vector<16xi32>
    %add3A_882 = arith.addi %add3A_881, %select_n3A_878 : vector<16xi32>
    %ge3A_883 = arith.constant 0 : i32
    %ge3A_884 = vector.broadcast %ge3A_883 : i32 to vector<16xi32>
    %ge3A_885 = arith.cmpi sge, %add3A_880, %ge3A_884 : vector<16xi32>
    %lt3A_886 = arith.constant 32 : i32
    %lt3A_887 = vector.broadcast %lt3A_886 : i32 to vector<16xi32>
    %lt3A_888 = arith.cmpi slt, %add3A_880, %lt3A_887 : vector<16xi32>
    %and3A_889 = arith.andi %ge3A_885, %lt3A_888 : vector<16xi1>
    %ge3A_890 = arith.constant 0 : i32
    %ge3A_891 = vector.broadcast %ge3A_890 : i32 to vector<16xi32>
    %ge3A_892 = arith.cmpi sge, %add3A_882, %ge3A_891 : vector<16xi32>
    %and3A_893 = arith.andi %and3A_889, %ge3A_892 : vector<16xi1>
    %lt3A_894 = arith.constant 32 : i32
    %lt3A_895 = vector.broadcast %lt3A_894 : i32 to vector<16xi32>
    %lt3A_896 = arith.cmpi slt, %add3A_882, %lt3A_895 : vector<16xi32>
    %and3A_897 = arith.andi %and3A_893, %lt3A_896 : vector<16xi1>
    %jit3A_898 = arith.constant 0 : i32
    %jit3A_899 = arith.constant 31 : i32
    %max3A_900 = vector.broadcast %jit3A_898 : i32 to vector<16xi32>
    %max3A_901 = arith.maxsi %max3A_900, %add3A_880 : vector<16xi32>
    %min3A_902 = vector.broadcast %jit3A_899 : i32 to vector<16xi32>
    %min3A_903 = arith.minsi %min3A_902, %max3A_901 : vector<16xi32>
    %mul3A_904 = arith.constant 32 : i32
    %mul3A_905 = vector.broadcast %mul3A_904 : i32 to vector<16xi32>
    %mul3A_906 = arith.muli %min3A_903, %mul3A_905 : vector<16xi32>
    %add3A_907 = arith.constant 2048 : i32
    %add3A_908 = vector.broadcast %add3A_907 : i32 to vector<16xi32>
    %add3A_909 = arith.addi %add3A_908, %mul3A_906 : vector<16xi32>
    %jit3A_910 = arith.constant 0 : i32
    %jit3A_911 = arith.constant 31 : i32
    %max3A_912 = vector.broadcast %jit3A_910 : i32 to vector<16xi32>
    %max3A_913 = arith.maxsi %max3A_912, %add3A_882 : vector<16xi32>
    %min3A_914 = vector.broadcast %jit3A_911 : i32 to vector<16xi32>
    %min3A_915 = arith.minsi %min3A_914, %max3A_913 : vector<16xi32>
    %add3A_916 = arith.addi %add3A_909, %min3A_915 : vector<16xi32>
    %gather3A_917 = tpu.vector_load_idx %arg6[%add3A_916] : memref<3072xf32, #tpu.memory_space<vmem>>[vector<16xi32>], vector<16xf32>,
    %jit3A_918 = arith.constant 0.000000e+00 : f32
    %broadcast_in_dim3A_919 = vector.broadcast %jit3A_918 : f32 to vector<16xf32>
    %select_n3A_920 = arith.select %and3A_897, %gather3A_917, %broadcast_in_dim3A_919 : vector<16xi1>, vector<16xf32>
    %swap3A_921 = arith.constant 128 : index
    %swap3A_922 = tpu.vector_load %arg7[%swap3A_921] {strides = array<i32>} : memref<192xf32, #tpu.memory_space<vmem>>, vector<16xf32>,
    tpu.vector_store %arg7[%swap3A_921], %select_n3A_920 {strides = array<i32>} : memref<192xf32, #tpu.memory_space<vmem>>, vector<16xf32>,
    %add3A_923 = arith.constant 16 : i32
    %add3A_924 = vector.broadcast %add3A_923 : i32 to vector<16xi32>
    %add3A_925 = arith.addi %add3A_924, %iota3A : vector<16xi32>
    %jit3A_926 = arith.constant 8 : i32
    %div3A_927 = vector.broadcast %jit3A_926 : i32 to vector<16xi32>
    %div3A_928 = arith.divsi %add3A_925, %div3A_927 : vector<16xi32>
    %sign3A_929 = arith.constant 0 : i32
    %sign3A_930 = vector.broadcast %sign3A_929 : i32 to vector<16xi32>
    %sign3A_931 = arith.cmpi sgt, %add3A_925, %sign3A_930 : vector<16xi32>
    %sign3A_932 = arith.extui %sign3A_931 : vector<16xi1> to vector<16xi32>
    %sign3A_933 = arith.constant 0 : i32
    %sign3A_934 = vector.broadcast %sign3A_933 : i32 to vector<16xi32>
    %sign3A_935 = arith.cmpi slt, %add3A_925, %sign3A_934 : vector<16xi32>
    %sign3A_936 = arith.extui %sign3A_935 : vector<16xi1> to vector<16xi32>
    %sign3A_937 = arith.subi %sign3A_932, %sign3A_936 : vector<16xi32>
    %sign3A_938 = arith.constant 0 : i32
    %sign3A_939 = arith.cmpi sgt, %jit3A_926, %sign3A_938 : i32
    %sign3A_940 = arith.extui %sign3A_939 : i1 to i32
    %sign3A_941 = arith.constant 0 : i32
    %sign3A_942 = arith.cmpi slt, %jit3A_926, %sign3A_941 : i32
    %sign3A_943 = arith.extui %sign3A_942 : i1 to i32
    %sign3A_944 = arith.subi %sign3A_940, %sign3A_943 : i32
    %ne3A_945 = vector.broadcast %sign3A_944 : i32 to vector<16xi32>
    %ne3A_946 = arith.cmpi ne, %sign3A_937, %ne3A_945 : vector<16xi32>
    %rem3A_947 = vector.broadcast %jit3A_926 : i32 to vector<16xi32>
    %rem3A_948 = arith.remsi %add3A_925, %rem3A_947 : vector<16xi32>
    %ne3A_949 = arith.constant 0 : i32
    %ne3A_950 = vector.broadcast %ne3A_949 : i32 to vector<16xi32>
    %ne3A_951 = arith.cmpi ne, %rem3A_948, %ne3A_950 : vector<16xi32>
    %and3A_952 = arith.andi %ne3A_946, %ne3A_951 : vector<16xi1>
    %sub3A_953 = arith.constant 1 : i32
    %sub3A_954 = vector.broadcast %sub3A_953 : i32 to vector<16xi32>
    %sub3A_955 = arith.subi %div3A_928, %sub3A_954 : vector<16xi32>
    %select_n3A_956 = arith.select %and3A_952, %sub3A_955, %div3A_928 : vector<16xi1>, vector<16xi32>
    %jit3A_957 = arith.constant 8 : i32
    %eq3A_958 = arith.constant 0 : i32
    %eq3A_959 = arith.cmpi eq, %jit3A_957, %eq3A_958 : i32
    %jit3A_960 = arith.constant 1 : i32
    %select_n3A_961 = arith.select %eq3A_959, %jit3A_960, %jit3A_957 : i32
    %rem3A_962 = vector.broadcast %select_n3A_961 : i32 to vector<16xi32>
    %rem3A_963 = arith.remsi %add3A_925, %rem3A_962 : vector<16xi32>
    %ne3A_964 = arith.constant 0 : i32
    %ne3A_965 = vector.broadcast %ne3A_964 : i32 to vector<16xi32>
    %ne3A_966 = arith.cmpi ne, %rem3A_963, %ne3A_965 : vector<16xi32>
    %lt3A_967 = arith.constant 0 : i32
    %lt3A_968 = vector.broadcast %lt3A_967 : i32 to vector<16xi32>
    %lt3A_969 = arith.cmpi slt, %rem3A_963, %lt3A_968 : vector<16xi32>
    %lt3A_970 = arith.constant 0 : i32
    %lt3A_971 = arith.cmpi slt, %select_n3A_961, %lt3A_970 : i32
    %ne3A_972 = vector.broadcast %lt3A_971 : i1 to vector<16xi1>
    %ne3A_973 = vector.broadcast %ne3A_972 : vector<16xi1> to vector<16xi1>
    %ne3A_974 = arith.xori %lt3A_969, %ne3A_973 : vector<16xi1>
    %and3A_975 = arith.andi %ne3A_974, %ne3A_966 : vector<16xi1>
    %add3A_976 = vector.broadcast %select_n3A_961 : i32 to vector<16xi32>
    %add3A_977 = arith.addi %rem3A_963, %add3A_976 : vector<16xi32>
    %select_n3A_978 = arith.select %and3A_975, %add3A_977, %rem3A_963 : vector<16xi1>, vector<16xi32>
    %add3A_979 = vector.broadcast %sub3A_15 : i32 to vector<16xi32>
    %add3A_980 = arith.addi %add3A_979, %select_n3A_956 : vector<16xi32>
    %add3A_981 = vector.broadcast %sub3A_34 : i32 to vector<16xi32>
    %add3A_982 = arith.addi %add3A_981, %select_n3A_978 : vector<16xi32>
    %ge3A_983 = arith.constant 0 : i32
    %ge3A_984 = vector.broadcast %ge3A_983 : i32 to vector<16xi32>
    %ge3A_985 = arith.cmpi sge, %add3A_980, %ge3A_984 : vector<16xi32>
    %lt3A_986 = arith.constant 32 : i32
    %lt3A_987 = vector.broadcast %lt3A_986 : i32 to vector<16xi32>
    %lt3A_988 = arith.cmpi slt, %add3A_980, %lt3A_987 : vector<16xi32>
    %and3A_989 = arith.andi %ge3A_985, %lt3A_988 : vector<16xi1>
    %ge3A_990 = arith.constant 0 : i32
    %ge3A_991 = vector.broadcast %ge3A_990 : i32 to vector<16xi32>
    %ge3A_992 = arith.cmpi sge, %add3A_982, %ge3A_991 : vector<16xi32>
    %and3A_993 = arith.andi %and3A_989, %ge3A_992 : vector<16xi1>
    %lt3A_994 = arith.constant 32 : i32
    %lt3A_995 = vector.broadcast %lt3A_994 : i32 to vector<16xi32>
    %lt3A_996 = arith.cmpi slt, %add3A_982, %lt3A_995 : vector<16xi32>
    %and3A_997 = arith.andi %and3A_993, %lt3A_996 : vector<16xi1>
    %jit3A_998 = arith.constant 0 : i32
    %jit3A_999 = arith.constant 31 : i32
    %max3A_1000 = vector.broadcast %jit3A_998 : i32 to vector<16xi32>
    %max3A_1001 = arith.maxsi %max3A_1000, %add3A_980 : vector<16xi32>
    %min3A_1002 = vector.broadcast %jit3A_999 : i32 to vector<16xi32>
    %min3A_1003 = arith.minsi %min3A_1002, %max3A_1001 : vector<16xi32>
    %mul3A_1004 = arith.constant 32 : i32
    %mul3A_1005 = vector.broadcast %mul3A_1004 : i32 to vector<16xi32>
    %mul3A_1006 = arith.muli %min3A_1003, %mul3A_1005 : vector<16xi32>
    %add3A_1007 = arith.constant 2048 : i32
    %add3A_1008 = vector.broadcast %add3A_1007 : i32 to vector<16xi32>
    %add3A_1009 = arith.addi %add3A_1008, %mul3A_1006 : vector<16xi32>
    %jit3A_1010 = arith.constant 0 : i32
    %jit3A_1011 = arith.constant 31 : i32
    %max3A_1012 = vector.broadcast %jit3A_1010 : i32 to vector<16xi32>
    %max3A_1013 = arith.maxsi %max3A_1012, %add3A_982 : vector<16xi32>
    %min3A_1014 = vector.broadcast %jit3A_1011 : i32 to vector<16xi32>
    %min3A_1015 = arith.minsi %min3A_1014, %max3A_1013 : vector<16xi32>
    %add3A_1016 = arith.addi %add3A_1009, %min3A_1015 : vector<16xi32>
    %gather3A_1017 = tpu.vector_load_idx %arg6[%add3A_1016] : memref<3072xf32, #tpu.memory_space<vmem>>[vector<16xi32>], vector<16xf32>,
    %jit3A_1018 = arith.constant 0.000000e+00 : f32
    %broadcast_in_dim3A_1019 = vector.broadcast %jit3A_1018 : f32 to vector<16xf32>
    %select_n3A_1020 = arith.select %and3A_997, %gather3A_1017, %broadcast_in_dim3A_1019 : vector<16xi1>, vector<16xf32>
    %swap3A_1021 = arith.constant 144 : index
    %swap3A_1022 = tpu.vector_load %arg7[%swap3A_1021] {strides = array<i32>} : memref<192xf32, #tpu.memory_space<vmem>>, vector<16xf32>,
    tpu.vector_store %arg7[%swap3A_1021], %select_n3A_1020 {strides = array<i32>} : memref<192xf32, #tpu.memory_space<vmem>>, vector<16xf32>,
    %add3A_1023 = arith.constant 32 : i32
    %add3A_1024 = vector.broadcast %add3A_1023 : i32 to vector<16xi32>
    %add3A_1025 = arith.addi %add3A_1024, %iota3A : vector<16xi32>
    %jit3A_1026 = arith.constant 8 : i32
    %div3A_1027 = vector.broadcast %jit3A_1026 : i32 to vector<16xi32>
    %div3A_1028 = arith.divsi %add3A_1025, %div3A_1027 : vector<16xi32>
    %sign3A_1029 = arith.constant 0 : i32
    %sign3A_1030 = vector.broadcast %sign3A_1029 : i32 to vector<16xi32>
    %sign3A_1031 = arith.cmpi sgt, %add3A_1025, %sign3A_1030 : vector<16xi32>
    %sign3A_1032 = arith.extui %sign3A_1031 : vector<16xi1> to vector<16xi32>
    %sign3A_1033 = arith.constant 0 : i32
    %sign3A_1034 = vector.broadcast %sign3A_1033 : i32 to vector<16xi32>
    %sign3A_1035 = arith.cmpi slt, %add3A_1025, %sign3A_1034 : vector<16xi32>
    %sign3A_1036 = arith.extui %sign3A_1035 : vector<16xi1> to vector<16xi32>
    %sign3A_1037 = arith.subi %sign3A_1032, %sign3A_1036 : vector<16xi32>
    %sign3A_1038 = arith.constant 0 : i32
    %sign3A_1039 = arith.cmpi sgt, %jit3A_1026, %sign3A_1038 : i32
    %sign3A_1040 = arith.extui %sign3A_1039 : i1 to i32
    %sign3A_1041 = arith.constant 0 : i32
    %sign3A_1042 = arith.cmpi slt, %jit3A_1026, %sign3A_1041 : i32
    %sign3A_1043 = arith.extui %sign3A_1042 : i1 to i32
    %sign3A_1044 = arith.subi %sign3A_1040, %sign3A_1043 : i32
    %ne3A_1045 = vector.broadcast %sign3A_1044 : i32 to vector<16xi32>
    %ne3A_1046 = arith.cmpi ne, %sign3A_1037, %ne3A_1045 : vector<16xi32>
    %rem3A_1047 = vector.broadcast %jit3A_1026 : i32 to vector<16xi32>
    %rem3A_1048 = arith.remsi %add3A_1025, %rem3A_1047 : vector<16xi32>
    %ne3A_1049 = arith.constant 0 : i32
    %ne3A_1050 = vector.broadcast %ne3A_1049 : i32 to vector<16xi32>
    %ne3A_1051 = arith.cmpi ne, %rem3A_1048, %ne3A_1050 : vector<16xi32>
    %and3A_1052 = arith.andi %ne3A_1046, %ne3A_1051 : vector<16xi1>
    %sub3A_1053 = arith.constant 1 : i32
    %sub3A_1054 = vector.broadcast %sub3A_1053 : i32 to vector<16xi32>
    %sub3A_1055 = arith.subi %div3A_1028, %sub3A_1054 : vector<16xi32>
    %select_n3A_1056 = arith.select %and3A_1052, %sub3A_1055, %div3A_1028 : vector<16xi1>, vector<16xi32>
    %jit3A_1057 = arith.constant 8 : i32
    %eq3A_1058 = arith.constant 0 : i32
    %eq3A_1059 = arith.cmpi eq, %jit3A_1057, %eq3A_1058 : i32
    %jit3A_1060 = arith.constant 1 : i32
    %select_n3A_1061 = arith.select %eq3A_1059, %jit3A_1060, %jit3A_1057 : i32
    %rem3A_1062 = vector.broadcast %select_n3A_1061 : i32 to vector<16xi32>
    %rem3A_1063 = arith.remsi %add3A_1025, %rem3A_1062 : vector<16xi32>
    %ne3A_1064 = arith.constant 0 : i32
    %ne3A_1065 = vector.broadcast %ne3A_1064 : i32 to vector<16xi32>
    %ne3A_1066 = arith.cmpi ne, %rem3A_1063, %ne3A_1065 : vector<16xi32>
    %lt3A_1067 = arith.constant 0 : i32
    %lt3A_1068 = vector.broadcast %lt3A_1067 : i32 to vector<16xi32>
    %lt3A_1069 = arith.cmpi slt, %rem3A_1063, %lt3A_1068 : vector<16xi32>
    %lt3A_1070 = arith.constant 0 : i32
    %lt3A_1071 = arith.cmpi slt, %select_n3A_1061, %lt3A_1070 : i32
    %ne3A_1072 = vector.broadcast %lt3A_1071 : i1 to vector<16xi1>
    %ne3A_1073 = vector.broadcast %ne3A_1072 : vector<16xi1> to vector<16xi1>
    %ne3A_1074 = arith.xori %lt3A_1069, %ne3A_1073 : vector<16xi1>
    %and3A_1075 = arith.andi %ne3A_1074, %ne3A_1066 : vector<16xi1>
    %add3A_1076 = vector.broadcast %select_n3A_1061 : i32 to vector<16xi32>
    %add3A_1077 = arith.addi %rem3A_1063, %add3A_1076 : vector<16xi32>
    %select_n3A_1078 = arith.select %and3A_1075, %add3A_1077, %rem3A_1063 : vector<16xi1>, vector<16xi32>
    %add3A_1079 = vector.broadcast %sub3A_15 : i32 to vector<16xi32>
    %add3A_1080 = arith.addi %add3A_1079, %select_n3A_1056 : vector<16xi32>
    %add3A_1081 = vector.broadcast %sub3A_34 : i32 to vector<16xi32>
    %add3A_1082 = arith.addi %add3A_1081, %select_n3A_1078 : vector<16xi32>
    %ge3A_1083 = arith.constant 0 : i32
    %ge3A_1084 = vector.broadcast %ge3A_1083 : i32 to vector<16xi32>
    %ge3A_1085 = arith.cmpi sge, %add3A_1080, %ge3A_1084 : vector<16xi32>
    %lt3A_1086 = arith.constant 32 : i32
    %lt3A_1087 = vector.broadcast %lt3A_1086 : i32 to vector<16xi32>
    %lt3A_1088 = arith.cmpi slt, %add3A_1080, %lt3A_1087 : vector<16xi32>
    %and3A_1089 = arith.andi %ge3A_1085, %lt3A_1088 : vector<16xi1>
    %ge3A_1090 = arith.constant 0 : i32
    %ge3A_1091 = vector.broadcast %ge3A_1090 : i32 to vector<16xi32>
    %ge3A_1092 = arith.cmpi sge, %add3A_1082, %ge3A_1091 : vector<16xi32>
    %and3A_1093 = arith.andi %and3A_1089, %ge3A_1092 : vector<16xi1>
    %lt3A_1094 = arith.constant 32 : i32
    %lt3A_1095 = vector.broadcast %lt3A_1094 : i32 to vector<16xi32>
    %lt3A_1096 = arith.cmpi slt, %add3A_1082, %lt3A_1095 : vector<16xi32>
    %and3A_1097 = arith.andi %and3A_1093, %lt3A_1096 : vector<16xi1>
    %jit3A_1098 = arith.constant 0 : i32
    %jit3A_1099 = arith.constant 31 : i32
    %max3A_1100 = vector.broadcast %jit3A_1098 : i32 to vector<16xi32>
    %max3A_1101 = arith.maxsi %max3A_1100, %add3A_1080 : vector<16xi32>
    %min3A_1102 = vector.broadcast %jit3A_1099 : i32 to vector<16xi32>
    %min3A_1103 = arith.minsi %min3A_1102, %max3A_1101 : vector<16xi32>
    %mul3A_1104 = arith.constant 32 : i32
    %mul3A_1105 = vector.broadcast %mul3A_1104 : i32 to vector<16xi32>
    %mul3A_1106 = arith.muli %min3A_1103, %mul3A_1105 : vector<16xi32>
    %add3A_1107 = arith.constant 2048 : i32
    %add3A_1108 = vector.broadcast %add3A_1107 : i32 to vector<16xi32>
    %add3A_1109 = arith.addi %add3A_1108, %mul3A_1106 : vector<16xi32>
    %jit3A_1110 = arith.constant 0 : i32
    %jit3A_1111 = arith.constant 31 : i32
    %max3A_1112 = vector.broadcast %jit3A_1110 : i32 to vector<16xi32>
    %max3A_1113 = arith.maxsi %max3A_1112, %add3A_1082 : vector<16xi32>
    %min3A_1114 = vector.broadcast %jit3A_1111 : i32 to vector<16xi32>
    %min3A_1115 = arith.minsi %min3A_1114, %max3A_1113 : vector<16xi32>
    %add3A_1116 = arith.addi %add3A_1109, %min3A_1115 : vector<16xi32>
    %gather3A_1117 = tpu.vector_load_idx %arg6[%add3A_1116] : memref<3072xf32, #tpu.memory_space<vmem>>[vector<16xi32>], vector<16xf32>,
    %jit3A_1118 = arith.constant 0.000000e+00 : f32
    %broadcast_in_dim3A_1119 = vector.broadcast %jit3A_1118 : f32 to vector<16xf32>
    %select_n3A_1120 = arith.select %and3A_1097, %gather3A_1117, %broadcast_in_dim3A_1119 : vector<16xi1>, vector<16xf32>
    %swap3A_1121 = arith.constant 160 : index
    %swap3A_1122 = tpu.vector_load %arg7[%swap3A_1121] {strides = array<i32>} : memref<192xf32, #tpu.memory_space<vmem>>, vector<16xf32>,
    tpu.vector_store %arg7[%swap3A_1121], %select_n3A_1120 {strides = array<i32>} : memref<192xf32, #tpu.memory_space<vmem>>, vector<16xf32>,
    %add3A_1123 = arith.constant 48 : i32
    %add3A_1124 = vector.broadcast %add3A_1123 : i32 to vector<16xi32>
    %add3A_1125 = arith.addi %add3A_1124, %iota3A : vector<16xi32>
    %jit3A_1126 = arith.constant 8 : i32
    %div3A_1127 = vector.broadcast %jit3A_1126 : i32 to vector<16xi32>
    %div3A_1128 = arith.divsi %add3A_1125, %div3A_1127 : vector<16xi32>
    %sign3A_1129 = arith.constant 0 : i32
    %sign3A_1130 = vector.broadcast %sign3A_1129 : i32 to vector<16xi32>
    %sign3A_1131 = arith.cmpi sgt, %add3A_1125, %sign3A_1130 : vector<16xi32>
    %sign3A_1132 = arith.extui %sign3A_1131 : vector<16xi1> to vector<16xi32>
    %sign3A_1133 = arith.constant 0 : i32
    %sign3A_1134 = vector.broadcast %sign3A_1133 : i32 to vector<16xi32>
    %sign3A_1135 = arith.cmpi slt, %add3A_1125, %sign3A_1134 : vector<16xi32>
    %sign3A_1136 = arith.extui %sign3A_1135 : vector<16xi1> to vector<16xi32>
    %sign3A_1137 = arith.subi %sign3A_1132, %sign3A_1136 : vector<16xi32>
    %sign3A_1138 = arith.constant 0 : i32
    %sign3A_1139 = arith.cmpi sgt, %jit3A_1126, %sign3A_1138 : i32
    %sign3A_1140 = arith.extui %sign3A_1139 : i1 to i32
    %sign3A_1141 = arith.constant 0 : i32
    %sign3A_1142 = arith.cmpi slt, %jit3A_1126, %sign3A_1141 : i32
    %sign3A_1143 = arith.extui %sign3A_1142 : i1 to i32
    %sign3A_1144 = arith.subi %sign3A_1140, %sign3A_1143 : i32
    %ne3A_1145 = vector.broadcast %sign3A_1144 : i32 to vector<16xi32>
    %ne3A_1146 = arith.cmpi ne, %sign3A_1137, %ne3A_1145 : vector<16xi32>
    %rem3A_1147 = vector.broadcast %jit3A_1126 : i32 to vector<16xi32>
    %rem3A_1148 = arith.remsi %add3A_1125, %rem3A_1147 : vector<16xi32>
    %ne3A_1149 = arith.constant 0 : i32
    %ne3A_1150 = vector.broadcast %ne3A_1149 : i32 to vector<16xi32>
    %ne3A_1151 = arith.cmpi ne, %rem3A_1148, %ne3A_1150 : vector<16xi32>
    %and3A_1152 = arith.andi %ne3A_1146, %ne3A_1151 : vector<16xi1>
    %sub3A_1153 = arith.constant 1 : i32
    %sub3A_1154 = vector.broadcast %sub3A_1153 : i32 to vector<16xi32>
    %sub3A_1155 = arith.subi %div3A_1128, %sub3A_1154 : vector<16xi32>
    %select_n3A_1156 = arith.select %and3A_1152, %sub3A_1155, %div3A_1128 : vector<16xi1>, vector<16xi32>
    %jit3A_1157 = arith.constant 8 : i32
    %eq3A_1158 = arith.constant 0 : i32
    %eq3A_1159 = arith.cmpi eq, %jit3A_1157, %eq3A_1158 : i32
    %jit3A_1160 = arith.constant 1 : i32
    %select_n3A_1161 = arith.select %eq3A_1159, %jit3A_1160, %jit3A_1157 : i32
    %rem3A_1162 = vector.broadcast %select_n3A_1161 : i32 to vector<16xi32>
    %rem3A_1163 = arith.remsi %add3A_1125, %rem3A_1162 : vector<16xi32>
    %ne3A_1164 = arith.constant 0 : i32
    %ne3A_1165 = vector.broadcast %ne3A_1164 : i32 to vector<16xi32>
    %ne3A_1166 = arith.cmpi ne, %rem3A_1163, %ne3A_1165 : vector<16xi32>
    %lt3A_1167 = arith.constant 0 : i32
    %lt3A_1168 = vector.broadcast %lt3A_1167 : i32 to vector<16xi32>
    %lt3A_1169 = arith.cmpi slt, %rem3A_1163, %lt3A_1168 : vector<16xi32>
    %lt3A_1170 = arith.constant 0 : i32
    %lt3A_1171 = arith.cmpi slt, %select_n3A_1161, %lt3A_1170 : i32
    %ne3A_1172 = vector.broadcast %lt3A_1171 : i1 to vector<16xi1>
    %ne3A_1173 = vector.broadcast %ne3A_1172 : vector<16xi1> to vector<16xi1>
    %ne3A_1174 = arith.xori %lt3A_1169, %ne3A_1173 : vector<16xi1>
    %and3A_1175 = arith.andi %ne3A_1174, %ne3A_1166 : vector<16xi1>
    %add3A_1176 = vector.broadcast %select_n3A_1161 : i32 to vector<16xi32>
    %add3A_1177 = arith.addi %rem3A_1163, %add3A_1176 : vector<16xi32>
    %select_n3A_1178 = arith.select %and3A_1175, %add3A_1177, %rem3A_1163 : vector<16xi1>, vector<16xi32>
    %add3A_1179 = vector.broadcast %sub3A_15 : i32 to vector<16xi32>
    %add3A_1180 = arith.addi %add3A_1179, %select_n3A_1156 : vector<16xi32>
    %add3A_1181 = vector.broadcast %sub3A_34 : i32 to vector<16xi32>
    %add3A_1182 = arith.addi %add3A_1181, %select_n3A_1178 : vector<16xi32>
    %ge3A_1183 = arith.constant 0 : i32
    %ge3A_1184 = vector.broadcast %ge3A_1183 : i32 to vector<16xi32>
    %ge3A_1185 = arith.cmpi sge, %add3A_1180, %ge3A_1184 : vector<16xi32>
    %lt3A_1186 = arith.constant 32 : i32
    %lt3A_1187 = vector.broadcast %lt3A_1186 : i32 to vector<16xi32>
    %lt3A_1188 = arith.cmpi slt, %add3A_1180, %lt3A_1187 : vector<16xi32>
    %and3A_1189 = arith.andi %ge3A_1185, %lt3A_1188 : vector<16xi1>
    %ge3A_1190 = arith.constant 0 : i32
    %ge3A_1191 = vector.broadcast %ge3A_1190 : i32 to vector<16xi32>
    %ge3A_1192 = arith.cmpi sge, %add3A_1182, %ge3A_1191 : vector<16xi32>
    %and3A_1193 = arith.andi %and3A_1189, %ge3A_1192 : vector<16xi1>
    %lt3A_1194 = arith.constant 32 : i32
    %lt3A_1195 = vector.broadcast %lt3A_1194 : i32 to vector<16xi32>
    %lt3A_1196 = arith.cmpi slt, %add3A_1182, %lt3A_1195 : vector<16xi32>
    %and3A_1197 = arith.andi %and3A_1193, %lt3A_1196 : vector<16xi1>
    %jit3A_1198 = arith.constant 0 : i32
    %jit3A_1199 = arith.constant 31 : i32
    %max3A_1200 = vector.broadcast %jit3A_1198 : i32 to vector<16xi32>
    %max3A_1201 = arith.maxsi %max3A_1200, %add3A_1180 : vector<16xi32>
    %min3A_1202 = vector.broadcast %jit3A_1199 : i32 to vector<16xi32>
    %min3A_1203 = arith.minsi %min3A_1202, %max3A_1201 : vector<16xi32>
    %mul3A_1204 = arith.constant 32 : i32
    %mul3A_1205 = vector.broadcast %mul3A_1204 : i32 to vector<16xi32>
    %mul3A_1206 = arith.muli %min3A_1203, %mul3A_1205 : vector<16xi32>
    %add3A_1207 = arith.constant 2048 : i32
    %add3A_1208 = vector.broadcast %add3A_1207 : i32 to vector<16xi32>
    %add3A_1209 = arith.addi %add3A_1208, %mul3A_1206 : vector<16xi32>
    %jit3A_1210 = arith.constant 0 : i32
    %jit3A_1211 = arith.constant 31 : i32
    %max3A_1212 = vector.broadcast %jit3A_1210 : i32 to vector<16xi32>
    %max3A_1213 = arith.maxsi %max3A_1212, %add3A_1182 : vector<16xi32>
    %min3A_1214 = vector.broadcast %jit3A_1211 : i32 to vector<16xi32>
    %min3A_1215 = arith.minsi %min3A_1214, %max3A_1213 : vector<16xi32>
    %add3A_1216 = arith.addi %add3A_1209, %min3A_1215 : vector<16xi32>
    %gather3A_1217 = tpu.vector_load_idx %arg6[%add3A_1216] : memref<3072xf32, #tpu.memory_space<vmem>>[vector<16xi32>], vector<16xf32>,
    %jit3A_1218 = arith.constant 0.000000e+00 : f32
    %broadcast_in_dim3A_1219 = vector.broadcast %jit3A_1218 : f32 to vector<16xf32>
    %select_n3A_1220 = arith.select %and3A_1197, %gather3A_1217, %broadcast_in_dim3A_1219 : vector<16xi1>, vector<16xf32>
    %swap3A_1221 = arith.constant 176 : index
    %swap3A_1222 = tpu.vector_load %arg7[%swap3A_1221] {strides = array<i32>} : memref<192xf32, #tpu.memory_space<vmem>>, vector<16xf32>,
    tpu.vector_store %arg7[%swap3A_1221], %select_n3A_1220 {strides = array<i32>} : memref<192xf32, #tpu.memory_space<vmem>>, vector<16xf32>,
    "tpu.region"() ({
      %run_scoped3A = tpu.sem_alloc : memref<!tpu.dma_semaphore, #tpu.memory_space<semaphore_mem>>
      tpu.enqueue_dma source(%arg7 : memref<192xf32, #tpu.memory_space<vmem>>) target(%arg4 : memref<192xf32, #tpu.memory_space<hbm>>) target_semaphore(%run_scoped3A : memref<!tpu.dma_semaphore, #tpu.memory_space<semaphore_mem>>)
      tpu.wait_dma2 semaphore(%run_scoped3A : memref<!tpu.dma_semaphore, #tpu.memory_space<semaphore_mem>>) src(%arg7 : memref<192xf32, #tpu.memory_space<vmem>>) dst(%arg4 : memref<192xf32, #tpu.memory_space<hbm>>)
      tpu.yield
    }) : () -> ()
    return
  }
}

module attributes {stable_mosaic.version = 14 : i64} {
  func.func @_full_tc_body(%arg0: memref<2xf32, #tpu.memory_space<smem>>, %arg1: memref<96x32xf32, #tpu.memory_space<vmem>>, %arg2: memref<96x32xf32, #tpu.memory_space<vmem>>) attributes {dimension_semantics = [], scalar_prefetch = 0 : i64, scratch_operands = 0 : i64, tpu.core_type = #tpu.core_type<tc>} {
    %get3A = arith.constant 0 : index
    %get3A_0 = memref.load %arg0[%get3A] : memref<2xf32, #tpu.memory_space<smem>>
    %jit3A = arith.constant -1.000000e+00 : f32
    %jit3A_1 = arith.constant 1.000000e+00 : f32
    %max3A = arith.maximumf %jit3A, %get3A_0 : f32
    %min3A = arith.minimumf %jit3A_1, %max3A : f32
    %add3A = arith.constant 1.000000e+00 : f32
    %add3A_2 = arith.addf %min3A, %add3A : f32
    %mul3A = arith.constant 3.200000e+01 : f32
    %mul3A_3 = arith.mulf %add3A_2, %mul3A : f32
    %mul3A_4 = arith.constant 5.000000e-01 : f32
    %mul3A_5 = arith.mulf %mul3A_4, %mul3A_3 : f32
    %convert_element_type3A = arith.fptosi %mul3A_5 : f32 to i32
    %convert_element_type3A_6 = arith.sitofp %convert_element_type3A : i32 to f32
    %gt3A = arith.cmpf ogt, %convert_element_type3A_6, %mul3A_5 : f32
    %convert_element_type3A_7 = arith.extui %gt3A : i1 to i32
    %sub3A = arith.subi %convert_element_type3A, %convert_element_type3A_7 : i32
    %sub3A_8 = arith.constant 4 : i32
    %sub3A_9 = arith.subi %sub3A, %sub3A_8 : i32
    %get3A_10 = arith.constant 1 : index
    %get3A_11 = memref.load %arg0[%get3A_10] : memref<2xf32, #tpu.memory_space<smem>>
    %jit3A_12 = arith.constant -1.000000e+00 : f32
    %jit3A_13 = arith.constant 1.000000e+00 : f32
    %max3A_14 = arith.maximumf %jit3A_12, %get3A_11 : f32
    %min3A_15 = arith.minimumf %jit3A_13, %max3A_14 : f32
    %add3A_16 = arith.constant 1.000000e+00 : f32
    %add3A_17 = arith.addf %min3A_15, %add3A_16 : f32
    %mul3A_18 = arith.constant 3.200000e+01 : f32
    %mul3A_19 = arith.mulf %add3A_17, %mul3A_18 : f32
    %mul3A_20 = arith.constant 5.000000e-01 : f32
    %mul3A_21 = arith.mulf %mul3A_20, %mul3A_19 : f32
    %convert_element_type3A_22 = arith.fptosi %mul3A_21 : f32 to i32
    %convert_element_type3A_23 = arith.sitofp %convert_element_type3A_22 : i32 to f32
    %gt3A_24 = arith.cmpf ogt, %convert_element_type3A_23, %mul3A_21 : f32
    %convert_element_type3A_25 = arith.extui %gt3A_24 : i1 to i32
    %sub3A_26 = arith.subi %convert_element_type3A_22, %convert_element_type3A_25 : i32
    %sub3A_27 = arith.constant 4 : i32
    %sub3A_28 = arith.subi %sub3A_26, %sub3A_27 : i32
    %iota3A = tpu.iota {dimensions = array<i32: 0>} : vector<96x32xi32>
    %jit3A_29 = arith.constant 32 : i32
    %eq3A = arith.constant 0 : i32
    %eq3A_30 = arith.cmpi eq, %jit3A_29, %eq3A : i32
    %jit3A_31 = arith.constant 1 : i32
    %select_n3A = arith.select %eq3A_30, %jit3A_31, %jit3A_29 : i32
    %rem3A = vector.broadcast %select_n3A : i32 to vector<96x32xi32>
    %rem3A_32 = arith.remsi %iota3A, %rem3A : vector<96x32xi32>
    %ne3A = arith.constant 0 : i32
    %ne3A_33 = vector.broadcast %ne3A : i32 to vector<96x32xi32>
    %ne3A_34 = arith.cmpi ne, %rem3A_32, %ne3A_33 : vector<96x32xi32>
    %lt3A = arith.constant 0 : i32
    %lt3A_35 = vector.broadcast %lt3A : i32 to vector<96x32xi32>
    %lt3A_36 = arith.cmpi slt, %rem3A_32, %lt3A_35 : vector<96x32xi32>
    %lt3A_37 = arith.constant 0 : i32
    %lt3A_38 = arith.cmpi slt, %select_n3A, %lt3A_37 : i32
    %ne3A_39 = vector.broadcast %lt3A_38 : i1 to vector<96x32xi1>
    %ne3A_40 = vector.broadcast %ne3A_39 : vector<96x32xi1> to vector<96x32xi1>
    %ne3A_41 = arith.xori %lt3A_36, %ne3A_40 : vector<96x32xi1>
    %and3A = arith.andi %ne3A_41, %ne3A_34 : vector<96x32xi1>
    %add3A_42 = vector.broadcast %select_n3A : i32 to vector<96x32xi32>
    %add3A_43 = arith.addi %rem3A_32, %add3A_42 : vector<96x32xi32>
    %select_n3A_44 = arith.select %and3A, %add3A_43, %rem3A_32 : vector<96x32xi1>, vector<96x32xi32>
    %iota3A_45 = tpu.iota {dimensions = array<i32: 1>} : vector<96x32xi32>
    %ge3A = vector.broadcast %sub3A_9 : i32 to vector<96x32xi32>
    %ge3A_46 = arith.cmpi sge, %select_n3A_44, %ge3A : vector<96x32xi32>
    %add3A_47 = arith.constant 8 : i32
    %add3A_48 = arith.addi %sub3A_9, %add3A_47 : i32
    %lt3A_49 = vector.broadcast %add3A_48 : i32 to vector<96x32xi32>
    %lt3A_50 = arith.cmpi slt, %select_n3A_44, %lt3A_49 : vector<96x32xi32>
    %and3A_51 = arith.andi %ge3A_46, %lt3A_50 : vector<96x32xi1>
    %ge3A_52 = vector.broadcast %sub3A_28 : i32 to vector<96x32xi32>
    %ge3A_53 = arith.cmpi sge, %iota3A_45, %ge3A_52 : vector<96x32xi32>
    %and3A_54 = arith.andi %and3A_51, %ge3A_53 : vector<96x32xi1>
    %add3A_55 = arith.constant 8 : i32
    %add3A_56 = arith.addi %sub3A_28, %add3A_55 : i32
    %lt3A_57 = vector.broadcast %add3A_56 : i32 to vector<96x32xi32>
    %lt3A_58 = arith.cmpi slt, %iota3A_45, %lt3A_57 : vector<96x32xi32>
    %and3A_59 = arith.andi %and3A_54, %lt3A_58 : vector<96x32xi1>
    %get3A_60 = arith.constant 0 : index
    %get3A_61 = arith.constant 0 : index
    %get3A_62 = vector.load %arg1[%get3A_60, %get3A_61] : memref<96x32xf32, #tpu.memory_space<vmem>>, vector<96x32xf32>
    %jit3A_63 = arith.constant 0.000000e+00 : f32
    %broadcast_in_dim3A = vector.broadcast %jit3A_63 : f32 to vector<96x32xf32>
    %select_n3A_64 = arith.select %and3A_59, %get3A_62, %broadcast_in_dim3A : vector<96x32xi1>, vector<96x32xf32>
    %swap3A = arith.constant 0 : index
    %swap3A_65 = arith.constant 0 : index
    %swap3A_66 = vector.load %arg2[%swap3A, %swap3A_65] : memref<96x32xf32, #tpu.memory_space<vmem>>, vector<96x32xf32>
    tpu.vector_store %arg2[%swap3A, %swap3A_65], %select_n3A_64 {strides = array<i32>} : memref<96x32xf32, #tpu.memory_space<vmem>>, vector<96x32xf32>,
    return
  }
}

</mosaic_0001>

<sc_bundles>
// kernel: kernel.4.cloned.1.call-start
scs
__scs_entry_jumppad:
0x0: {  	(pc) =	sbr.rel $0x88, $3  }
0x1: {  	(tag) =	ssettag $0x0;
	lr =	simm.s32 $0x1  }
0x2: {  	[smem:$0x3F9F] =	sst lr;
	_ =	strace $0xD0000000  }
0x3: {  	_ = 	snop  }
0x4: {  	_ = 	snop  }
0x5: {  	_ = 	snop  }
0x6: {  	_ = 	snop  }
0x7: {  	_ = 	snop  }
__scs_overlays_trampoline_lowered:
0x8: {  	[smem:$0x3FAE] =	sst s0  }
0x9: {  	[smem:$0x3FAF] =	sst s1  }
0xa: {  	[smem:$0x3FB0] =	sst s2  }
0xb: {  	[smem:$0x3FB1] =	sst s3  }
0xc: {  	[smem:$0x3FB2] =	sst s4  }
0xd: {  	[smem:$0x3FB3] =	sst s5  }
0xe: {  	[smem:$0x3FB4] =	sst s6  }
0xf: {  	[smem:$0x3FB5] =	sst s7  }
0x10: {  	[smem:$0x3FB6] =	sst s8  }
0x11: {  	[smem:$0x3FB7] =	sst s9;
	s0 =	simm.s32 @!p0 $0x0  }
0x12: {  	s1 =	sld [smem:$0x3F9D];
	s0 =	simm.s32 @p0 $0x1  }
0x13: {  	[smem:$0x3FB8] =	sst s0;
	s0 =	simm.s32 @!p1 $0x0  }
0x14: {  	s2 =	sld [smem:$0x3F9C];
	s0 =	simm.s32 @p1 $0x1  }
0x15: {  	[smem:$0x3FB9] =	sst s0;
	s0 =	simm.s32 @!p2 $0x0  }
0x16: {  	s3 =	sld [smem:$0x3FDB];
	s0 =	simm.s32 @p2 $0x1  }
0x17: {  	s4 =	simm.s32 $0x1BF5;
	[smem:$0x3FBB] =	sst s0  }
0x18: {  	s0 =	sld [smem:$0x3F9E];
	_ =	swait.ge [sflag:s4], $0x0  }
0x19: {  	s7 =	sld [smem:$0x3F9F]  }
0x1a: {  	s8 =	sadd.s32 $0xFFFFE003, lr  }
0x1b: {  	s9 =	sadd.s32 $0xFFFFFEF7, lr;
	s5 =	simm.s32 $0xFFFFFFFF;
	p2 =	slt.u32 s8, $0xFFFFF086  }
0x1c: {  	p1 =	slt.u32 s9, $0xF7A;
	s5 =	simm.s32 @!p2 $0x0  }
0x1d: {  	s5 =	simm.s32 @p1 $0x1;
	p0 =	seq.s32 s7, s2  }
0x1e: {  	s7 =	smul.u32 @!p0 $0xF7A, s2;
	p2 =	seq.s32 @!p0 s5, $0x0  }
0x1f: {  	s9 =	smul.u32 $0xF7A, s1;
	s8 =	simm.s32 @!p0 $0x1BF5;
	p2 =	por !p2, p0  }
0x20: {  	[sflag:s8] =	ssyncset.s32 @!p0 $0xFFFFF086;
	s6 =	sadd.s32 @!p0 s3, s7;
	s7 =	simm.s32 @!p0 $0x108  }
0x21: {  	s3 =	sadd.s32 s3, s9;
	s6 =	sadd.s32 @!p0 $0x88, s6;
	s7 =	simm.s32 @p2 $0x1082  }
0x22: {  	[simem:s7], [sflag:s8] =	dma.local @!p0 [hbm:s6], $0xF7A  }
0x23: {  	s9 =	sor.u32 $0xD0000000, s2;
	s6 =	simm.s32 $0x108;
	_ =	swait.ge @!p0 [sflag:s8], $0x0  }
0x24: {  	s3 =	sadd.s32 $0x88, s3;
	s6 =	simm.s32 @!p1 $0x1082;
	[sflag:s4] =	ssyncset.s32 $0xFFFFF086  }
0x25: {  	[simem:s6], [sflag:s4] =	dma.local [hbm:s3], $0xF7A  }
0x26: {  	[smem:$0x3F9F] =	sst s1;
	(tag) =	ssettag s2;
	_ =	strace s9  }
0x27: {  	s1 =	sld [smem:$0x3FAF]  }
0x28: {  	s2 =	sld [smem:$0x3FB0]  }
0x29: {  	s4 =	sld [smem:$0x3FB2]  }
0x2a: {  	p0 =	seq.s32 s5, $0x0;
	s5 =	sld [smem:$0x3FB3]  }
0x2b: {  	s6 =	sld [smem:$0x3FB4]  }
0x2c: {  	s7 =	sld [smem:$0x3FB5]  }
0x2d: {  	s3 =	simm.s32 $0x108;
	s8 =	sld [smem:$0x3FB6]  }
0x2e: {  	s3 =	simm.s32 @!p0 $0x1082;
	s9 =	sld [smem:$0x3FB7]  }
0x2f: {  	lr =	sadd.s32 s0, s3;
	s0 =	sld [smem:$0x3FAE]  }
0x30: {  	s3 =	sld [smem:$0x3FB1]  }
0x31: {  	[smem:$0x3FBA] =	sst s10  }
0x32: {  	s10 =	sld [smem:$0x3FB8];
	_ =	sdelay $0x3  }
0x33: {  	p0 =	seq.s32 s10, $0x1;
	s10 =	sld [smem:$0x3FBA];
	_ =	sdelay $0x3  }
0x34: {  	[smem:$0x3FBA] =	sst s10  }
0x35: {  	s10 =	sld [smem:$0x3FB9];
	_ =	sdelay $0x3  }
0x36: {  	p1 =	seq.s32 s10, $0x1;
	s10 =	sld [smem:$0x3FBA];
	_ =	sdelay $0x3  }
0x37: {  	[smem:$0x3FBA] =	sst s10  }
0x38: {  	s10 =	sld [smem:$0x3FBB]  }
0x39: {  	_ = 	snop;
	(pc) =	sbr.ind lr, $3  }
0x3a: {  	_ = 	snop  }
0x3b: {  	_ = 	snop  }
0x3c: {  	p2 =	seq.s32 s10, $0x1;
	s10 =	sld [smem:$0x3FBA]  }
0x3d: {  	_ =	shalt  }
0x3e: {  	_ =	shalt  }
0x3f: {  	_ =	shalt  }
0x40: {  	_ =	shalt  }
0x41: {  	_ =	shalt  }
0x42: {  	_ =	shalt  }
0x43: {  	_ =	shalt  }
0x44: {  	_ =	shalt  }
0x45: {  	_ =	shalt  }
0x46: {  	_ =	shalt  }
0x47: {  	_ =	shalt  }
0x48: {  	_ =	shalt  }
0x49: {  	_ =	shalt  }
0x4a: {  	_ =	shalt  }
0x4b: {  	_ =	shalt  }
0x4c: {  	_ =	shalt  }
0x4d: {  	_ =	shalt  }
0x4e: {  	_ =	shalt  }
0x4f: {  	_ =	shalt  }
0x50: {  	_ =	shalt  }
0x51: {  	_ =	shalt  }
0x52: {  	_ =	shalt  }
0x53: {  	_ =	shalt  }
0x54: {  	_ =	shalt  }
0x55: {  	_ =	shalt  }
0x56: {  	_ =	shalt  }
0x57: {  	_ =	shalt  }
0x58: {  	_ =	shalt  }
0x59: {  	_ =	shalt  }
0x5a: {  	_ =	shalt  }
0x5b: {  	_ =	shalt  }
0x5c: {  	_ =	shalt  }
0x5d: {  	_ =	shalt  }
0x5e: {  	_ =	shalt  }
0x5f: {  	_ =	shalt  }
0x60: {  	_ =	shalt  }
0x61: {  	_ =	shalt  }
0x62: {  	_ =	shalt  }
0x63: {  	_ =	shalt  }
0x64: {  	_ =	shalt  }
0x65: {  	_ =	shalt  }
0x66: {  	_ =	shalt  }
0x67: {  	_ =	shalt  }
0x68: {  	_ =	shalt  }
0x69: {  	_ =	shalt  }
0x6a: {  	_ =	shalt  }
0x6b: {  	_ =	shalt  }
0x6c: {  	_ =	shalt  }
0x6d: {  	_ =	shalt  }
0x6e: {  	_ =	shalt  }
0x6f: {  	_ =	shalt  }
0x70: {  	_ =	shalt  }
0x71: {  	_ =	shalt  }
0x72: {  	_ =	shalt  }
0x73: {  	_ =	shalt  }
0x74: {  	_ =	shalt  }
0x75: {  	_ =	shalt  }
0x76: {  	_ =	shalt  }
0x77: {  	_ =	shalt  }
0x78: {  	_ =	shalt  }
0x79: {  	_ =	shalt  }
0x7a: {  	_ =	shalt  }
0x7b: {  	_ =	shalt  }
0x7c: {  	_ =	shalt  }
0x7d: {  	_ =	shalt  }
0x7e: {  	_ =	shalt  }
0x7f: {  	_ =	shalt  }
0x80: {  	_ =	shalt  }
0x81: {  	_ =	shalt  }
0x82: {  	_ =	shalt  }
0x83: {  	_ =	shalt  }
0x84: {  	_ =	shalt  }
0x85: {  	_ =	shalt  }
0x86: {  	_ =	shalt  }
0x87: {  	_ =	shalt  }
.Lfunc_end0:
.L_simem_size_0:
called_computation_lowered:
.L_overlay_start_0:
0x88: {  	s0 =	sld [smem:$0x3FD9]  }
0x89: {  	s1 =	sld [smem:$0x3FFE];
	_ =	sdelay $0x3  }
0x8a: {  	s0 =	sadd.s32 s1, s0  }
0x8b: {  	[smem:$0x3FC6] =	sst s0  }
0x8c: {  	_ = 	snop  }
0x8d: {  	s0 =	sld [smem:$0x3FD0];
	_ =	sdelay $0x2  }
0x8e: {  	s2 =	simm.s32 $0xA;
	s3 =	simm.s32 $0x10;
	s13 =	sld [smem:$0x3FC8]  }
0x8f: {  	[smem:s3], [sflag:s2] =	dma.local [hbm:s0], $0x1  }
0x90: {  	_ =	swait.eq [sflag:s2], $0x1  }
0x91: {  	[sflag:s2] =	ssyncset.done $0x0  }
0x92: {  	[sflag:s2] =	ssyncadd.s32 $0xFFFFFFFF  }
0x93: {  	s14 =	sld [smem:$0x11];
	(tm) =	ssettm $0x1  }
0x94: {  	s15 =	sld [smem:$0x3FFB];
	_ =	sdelay $0x3  }
0x95: {  	_ =	strace s15  }
0x96: {  	s2 =	sld [smem:$0x3FFC];
	_ =	sdelay $0x3  }
0x97: {  	_ =	strace s2  }
0x98: {  	s2 =	sld [smem:$0x3FFD];
	_ =	sdelay $0x3  }
0x99: {  	_ =	strace s2  }
0x9a: {  	_ =	strace $0x8FFFFFFF  }
0x9b: {  	s16 =	sld [smem:$0x3FDB];
	_ =	sdelay $0x1  }
0x9c: {  	s17 =	simm.s32 $_scs_section_size  }
0x9d: {  	s4 =	simm.s32 $_size__tile_overlayer_lowered;
	s5 =	simm.s32 $_tile_overlayer_lowered  }
0x9e: {  	s20 =	simm.s32 $0x1BFF;
	s19 =	sshll.u32 s5, $0x1;
	s2 =	sadd.s32 s17, s16  }
0x9f: {  	s6 =	simm.s32 $0x0;
	s18 =	sshll.u32 s4, $0x1;
	s4 =	sadd.s32 s19, s2  }
0xa0: {  	[timem:s6], [sflag:s20] =	dma.local [hbm:s4], s18  }
0xa1: {  	_ =	swait.ge [sflag:s20], s18  }
0xa2: {  	s3 =	ssub.s32 $0x0, s18;
	[sflag:s20] =	ssyncset.done $0x0  }
0xa3: {  	[sflag:s20] =	ssyncadd.s32 s3;
	_ =	sdelay $0x1  }
0xa4: {  	s21 =	simm.s32 $0x1B8B  }
0xa5: {  	_ =	swait.ge [sflag:s21], $0x1  }
0xa6: {  	[sflag:s21] =	ssyncset.done $0x0  }
0xa7: {  	s23 =	simm.s32 $0x1B8E;
	s22 =	sld [smem:$0x3FFE];
	[sflag:s21] =	ssyncadd.s32 $0xFFFFFFFF  }
0xa8: {  	s24 =	simm.s32 $execute0_lowered;
	[smem:$0x3FD2] =	sst s23  }
0xa9: {  	s4 =	sshll.u32 s24, $0x1;
	_ =	strace $0x80000046;
	[dreg:$0x1] =	wrdreg $0xFFFFFFFF  }
0xaa: {  	s25 =	simm.s32 $_size_execute0_lowered;
	s2 =	sadd.s32 s2, s4;
	[dreg:$0x0] =	wrdreg $0x0  }
0xab: {  	s4 =	sshll.u32 s25, $0x1;
	[dreg:$0x2] =	wrdreg s2  }
0xac: {  	[dreg:$0x3] =	wrdreg s4  }
0xad: {  	[dreg:$0x4] =	wrdreg $0xC0  }
0xae: {  	_ =	task [dreg:s6], $0x5FFFF  }
0xaf: {  	[dreg:$0x1] =	wrdreg $0xFFFFFFFF  }
0xb0: {  	[dreg:$0x0] =	wrdreg $0x60  }
0xb1: {  	[dreg:$0x2] =	wrdreg s14  }
0xb2: {  	[dreg:$0x3] =	wrdreg s13  }
0xb3: {  	[dreg:$0x4] =	wrdreg s22  }
0xb4: {  	[dreg:$0x5] =	wrdreg $0x9  }
0xb5: {  	_ =	task.clear_ibuf [dreg:s6], $0x6FFFF;
	_ =	strace $0x90000046  }
0xb6: {  	s26 =	simm.s32 $0x9;
	_ =	strace $0x80000048  }
0xb7: {  	_ =	swait.ge [sflag:s26], $0x1  }
0xb8: {  	[sflag:s26] =	ssyncadd.s32 $0xFFFFFFFF  }
0xb9: {  	_ =	strace $0x90000048  }
0xba: {  	_ =	sfence  }
0xbb: {  	s28 =	sld [smem:$0x0];
	_ =	sdelay $0x1  }
0xbc: {  	s29 =	srdreg.scid  }
0xbd: {  	s30 =	sshll.u32 s29, $0xD;
	s31 =	sshrl.u32 s29, $0x2  }
0xbe: {  	s1 =	sand.u32 $0x1, s29;
	s2 =	sand.u32 $0x4000, s30;
	s0 =	sadd.s32 s31, s28  }
0xbf: {  	s1 =	sor.u32 s2, s1;
	s0 =	sshll.u32 s0, $0x11  }
0xc0: {  	s0 =	sor.u32 s0, s1  }
0xc1: {  	s0 =	sadd.s32 $0x8F2B, s0  }
0xc2: {  	[sflag:s0] =	ssyncadd.remote.s32 $0x1  }
0xc3: {  	_ =	sfence.sel $0xFFFF  }
0xc4: {  	[dreg:$0x0] =	wrdreg $0xFFFFFFFF;
	(pc) =	sbr.abs _section_cstart, $3  }
0xc5: {  	[dreg:$0x1] =	wrdreg $0xFFFFFFFF  }
0xc6: {  	_ =	task.clear_ibuf [dreg:s6], $0x2FFFF;
	_ =	strace $0x9FFFFFFF  }
0xc7: {  	(tm) =	ssettm $0x7FFFFFFF  }
tec
execute0_lowered:
.L_overlay_start_1:
0x0: {  	(tag) =	ssettag $0x1  }
0x1: {  	s2 =	stileid.u32  }
0x2: {  	p0 =	sne.s32 s2, $0x0  }
.Ltmp0:
0x3: {  	_ = 	snop;
	(pc) =	sbr.rel @p0 .LBB2_2-.Ltmp0, $4  }
0x4: {  	s4 =	rddreg [dreg:$0x0]  }
0x5: {  	s3 =	rddreg [dreg:$0x1]  }
0x6: {  	s1 =	rddreg [dreg:$0x2]  }
0x7: {  	s0 =	rddreg [dreg:$0x3];
	_ =	strace $0x80000047  }
0x8: {  	s2 =	simm.s32 $0x0  }
0x9: {  	[tilespmem:s2], [sflag:$0x1] =	stream.linear.gather [hbm4b:s3+s2], $0x2, $0x38;
	[tilespmem:$0xD80] =	vst v63  }
0xa: {  	s28 =	simm.s32 $0x80  }
0xb: {  	[tilespmem:s28], [sflag:$0x2] =	stream.linear.gather [hbm4b:s4+s2], $0xC00, $0x38;
	[tilespmem:$0xD80] =	vst v63  }
0xc: {  	s4 =	simm.s32 $0x1  }
0xd: {  	_ =	swait.ge [sflag:s4], $0x2  }
0xe: {  	[sflag:s4] =	ssyncset.done $0x0  }
0xf: {  	[sflag:s4] =	ssyncadd.s32 $0xFFFFFFFE  }
0x10: {  	v0 =	vld [tilespmem:$0x0];
	_ =	sdelay $0x4  }
0x11: {  	(v2sf) =	vpush v0, $0x0  }
0x12: {  	(v2sf) =	vpush v0, $0x1;
	_ =	sdelay $0xd  }
0x13: {  	s5 =	spop (v2sf)  }
0x14: {  	s5 =	smax.f32 s5, $-1.000000000e+00;
	s6 =	spop (v2sf)  }
0x15: {  	s5 =	smin.f32 s5, $1.000000000e+00;
	s6 =	smax.f32 s6, $-1.000000000e+00  }
0x16: {  	s5 =	sadd.f32 $1.000000000e+00, s5;
	s6 =	smin.f32 s6, $1.000000000e+00  }
0x17: {  	s6 =	sadd.f32 $1.000000000e+00, s6  }
0x18: {  	s5 =	smul.f32 $3.200000000e+01, s5  }
0x19: {  	s6 =	smul.f32 $3.200000000e+01, s6  }
0x1a: {  	s5 =	smul.f32 $5.000000000e-01, s5  }
0x1b: {  	s6 =	smul.f32 $5.000000000e-01, s6  }
0x1c: {  	s7 =	scvt.f32.s32 s5  }
0x1d: {  	s8 =	scvt.f32.s32 s6  }
0x1e: {  	s9 =	scvt.s32.f32 s7  }
0x1f: {  	s10 =	scvt.s32.f32 s8  }
0x20: {  	p1 =	slt.f32 s5, s9  }
0x21: {  	s5 =	simm.s32 $0x1;
	p2 =	slt.f32 s6, s10  }
0x22: {  	s5 =	simm.s32 @!p1 $0x0  }
0x23: {  	v50 =	vlaneseq.u32;
	s5 =	ssub.s32 s7, s5;
	s4 =	simm.s32 @!p2 $0x0  }
0x24: {  	v1 =	vshrl.u32 v50, $0x3;
	s5 =	sadd.s32 $0xFFFFFFFC, s5;
	s4 =	ssub.s32 s8, s4  }
0x25: {  	v0 =	vand.u32 $0x7, v50;
	s4 =	sadd.s32 $0xFFFFFFFC, s4;
	v2 =	vadd.s32 s5, v1  }
0x26: {  	v0 =	vadd.s32 s4, v0;
	vm0 =	vgt.s32 v2, $0x0  }
0x27: {  	v3 =	vnsel vm0, $0x0, v2;
	vm11 =	vgt.s32 v0, $0x0  }
0x28: {  	v3 =	vmin.u32 v3, $0x1F;
	v4 =	vnsel vm11, $0x0, v0  }
0x29: {  	v3 =	vshll.u32 v3, $0x5;
	v4 =	vmin.u32 v4, $0x1F  }
0x2a: {  	v3 =	vor.u32 v4, v3  }
0x2b: {  	s29 =	simm.s32 $0x2;
	v5 =	vor.u32 $0x2, v1  }
0x2c: {  	_ =	swait.ge [sflag:s29], $0xC00;
	v5 =	vadd.s32 s5, v5  }
0x2d: {  	[sflag:s29] =	ssyncset.done $0x0;
	vm12 =	vgt.s32 v5, $0x0  }
0x2e: {  	[sflag:s29] =	ssyncadd.s32 $0xFFFFF400;
	v6 =	vnsel vm12, $0x0, v5  }
0x2f: {  	v6 =	vmin.u32 v6, $0x1F;
	v7 =	vld.idx.msk [tilespmem:v3+s28+$0x0], $0xffff  }
0x30: {  	v6 =	vshll.u32 v6, $0x5  }
0x31: {  	v6 =	vor.u32 v4, v6  }
0x32: {  	v8 =	vor.u32 $0x4, v1;
	v2 =	vor.u32 v0, v2  }
0x33: {  	v51 =	vadd.s32 s5, v8;
	vm13 =	vlt.u32 v2, $0x20  }
0x34: {  	vm1 =	vgt.s32 v51, $0x0;
	v7 =	vnsel vm13, $0x0, v7  }
0x35: {  	v52 =	vnsel vm1, $0x0, v51;
	[tilespmem:$0xC80] =	vst v7  }
0x36: {  	v7 =	vmin.u32 v52, $0x1F;
	v53 =	vld.idx.msk [tilespmem:v6+s28+$0x0], $0xffff  }
0x37: {  	v7 =	vshll.u32 v7, $0x5  }
0x38: {  	v7 =	vor.u32 v4, v7  }
0x39: {  	v1 =	vor.u32 $0x6, v1;
	v5 =	vor.u32 v0, v5  }
0x3a: {  	v1 =	vadd.s32 s5, v1;
	vm14 =	vlt.u32 v5, $0x20  }
0x3b: {  	vm2 =	vgt.s32 v1, $0x0;
	v5 =	vnsel vm14, $0x0, v53  }
0x3c: {  	v54 =	vnsel vm2, $0x0, v1;
	[tilespmem:$0xC90] =	vst v5  }
0x3d: {  	v5 =	vmin.u32 v54, $0x1F;
	v55 =	vld.idx.msk [tilespmem:v7+s28+$0x0], $0xffff  }
0x3e: {  	v5 =	vshll.u32 v5, $0x5  }
0x3f: {  	v4 =	vor.u32 v4, v5  }
0x40: {  	v2 =	vor.u32 v0, v51  }
0x41: {  	vm15 =	vlt.u32 v2, $0x20  }
0x42: {  	v2 =	vnsel vm15, $0x0, v55  }
0x43: {  	[tilespmem:$0xCA0] =	vst v2  }
0x44: {  	v2 =	vld.idx.msk [tilespmem:v4+s28+$0x0], $0xffff;
	_ =	sdelay $0x1  }
0x45: {  	v56 =	vor.u32 $0x400, v3  }
0x46: {  	v0 =	vor.u32 v0, v1  }
0x47: {  	vm3 =	vlt.u32 v0, $0x20  }
0x48: {  	v0 =	vnsel vm3, $0x0, v2  }
0x49: {  	[tilespmem:$0xCB0] =	vst v0  }
0x4a: {  	v0 =	vld.idx.msk [tilespmem:v56+s28+$0x0], $0xffff;
	_ =	sdelay $0x1  }
0x4b: {  	v57 =	vor.u32 $0x400, v6;
	_ =	sdelay $0x2  }
0x4c: {  	v0 =	vnsel vm13, $0x0, v0  }
0x4d: {  	[tilespmem:$0xCC0] =	vst v0  }
0x4e: {  	v0 =	vld.idx.msk [tilespmem:v57+s28+$0x0], $0xffff;
	_ =	sdelay $0x1  }
0x4f: {  	v58 =	vor.u32 $0x400, v7;
	_ =	sdelay $0x2  }
0x50: {  	v0 =	vnsel vm14, $0x0, v0  }
0x51: {  	[tilespmem:$0xCD0] =	vst v0  }
0x52: {  	v0 =	vld.idx.msk [tilespmem:v58+s28+$0x0], $0xffff;
	_ =	sdelay $0x1  }
0x53: {  	v59 =	vor.u32 $0x400, v4;
	_ =	sdelay $0x2  }
0x54: {  	v0 =	vnsel vm15, $0x0, v0  }
0x55: {  	[tilespmem:$0xCE0] =	vst v0  }
0x56: {  	v0 =	vld.idx.msk [tilespmem:v59+s28+$0x0], $0xffff;
	_ =	sdelay $0x1  }
0x57: {  	v60 =	vor.u32 $0x800, v3;
	_ =	sdelay $0x2  }
0x58: {  	v0 =	vnsel vm3, $0x0, v0  }
0x59: {  	[tilespmem:$0xCF0] =	vst v0  }
0x5a: {  	v0 =	vld.idx.msk [tilespmem:v60+s28+$0x0], $0xffff;
	_ =	sdelay $0x1  }
0x5b: {  	v61 =	vor.u32 $0x800, v6;
	_ =	sdelay $0x2  }
0x5c: {  	v0 =	vnsel vm13, $0x0, v0  }
0x5d: {  	[tilespmem:$0xD00] =	vst v0  }
0x5e: {  	v0 =	vld.idx.msk [tilespmem:v61+s28+$0x0], $0xffff;
	_ =	sdelay $0x1  }
0x5f: {  	v62 =	vor.u32 $0x800, v7;
	_ =	sdelay $0x2  }
0x60: {  	v0 =	vnsel vm14, $0x0, v0  }
0x61: {  	[tilespmem:$0xD10] =	vst v0  }
0x62: {  	v0 =	vld.idx.msk [tilespmem:v62+s28+$0x0], $0xffff;
	_ =	sdelay $0x1  }
0x63: {  	v63 =	vor.u32 $0x800, v4;
	_ =	sdelay $0x2  }
0x64: {  	v0 =	vnsel vm15, $0x0, v0  }
0x65: {  	[tilespmem:$0xD20] =	vst v0  }
0x66: {  	v0 =	vld.idx.msk [tilespmem:v63+s28+$0x0], $0xffff;
	_ =	sdelay $0x4  }
0x67: {  	v0 =	vnsel vm3, $0x0, v0  }
0x68: {  	s1 =	sadd.s32 $0x800, s1;
	s30 =	simm.s32 $0xC80;
	s31 =	simm.s32 $0x3;
	[tilespmem:$0xD30] =	vst v0  }
0x69: {  	[hbm4b:s1+s2] =	stream.linear.scatter [tilespmem:s30], [sflag:$0x3], $0x100, $0x38;
	[tilespmem:$0xD80] =	vst v63  }
0x6a: {  	_ =	swait.ge [sflag:s31], $0x100  }
0x6b: {  	[sflag:s31] =	ssyncset.done $0x0  }
0x6c: {  	[sflag:s31] =	ssyncadd.s32 $0xFFFFFF00  }
.LBB2_2:
0x6d: {  	_ =	sfence.sel $0x180000  }
0x6e: {  	[bflag:$0x0] =	sbarrier.arrive $0xFFFF  }
0x6f: {  	_ =	strace $0x90000047  }
0x70: {  	s0 =	sadd.s32 @!p0 $0x100000, s0;
	[bflag:$0x2] =	sbarrier.arrive $0xFFFF  }
0x71: {  	[sflag:s0] =	ssyncadd.tile.s32 @!p0 $0x1;
	_ =	shalt  }
.Lfunc_end2:
_tile_overlayer_lowered:
.L_overlay_start_2:
0x72: {  	(tag) =	ssettag $0x2  }
0x73: {  	s0 =	rddreg [dreg:$0x0];
	s2 =	stileid.u32  }
0x74: {  	s1 =	rddreg [dreg:$0x1];
	p0 =	sne.s32 s2, $0x0  }
0x75: {  	s3 =	rddreg [dreg:$0x2];
	[bflag:$0x3] =	sbarrier.arrive $0xFFFF;
	s2 =	simm.s32 @!p0 $0x1C03  }
0x76: {  	[timem:s3], [sflag:s2] =	dma.local @!p0 [hbm:s0], s1  }
0x77: {  	s0 =	simm.s32 @!p0 $0x3  }
0x78: {  	_ =	swait.ge @!p0 [sflag:s0], s1  }
0x79: {  	s1 =	ssub.s32 @!p0 $0x0, s1;
	[sflag:s0] =	ssyncset.done @!p0 $0x0  }
0x7a: {  	[sflag:s0] =	ssyncadd.s32 @!p0 s1  }
0x7b: {  	[bflag:$0x3] =	sbarrier.arrive $0xFFFF  }
0x7c: {  	_ =	shalt  }

</sc_bundles>
